<compile_context>
chip_gen: v7x
topology: tpu7x:2x2x1
jax: 0.10.2.dev20260603
libtpu: 0.0.44.dev20260713+nightly
codegen_flags: <defaults>
</compile_context>

<pallas_src>
import functools

import jax
import jax.numpy as jnp
from jax import lax
from jax.experimental import pallas as pl
from jax.experimental.pallas import tpu as pltpu
from jax.experimental.pallas import tpu_sc as plsc

N = 320000
D = 128
S = 10000
NC = 2
NS = 16
CHUNK = 128
NCHUNK = N // CHUNK
SUBCHUNKS = 1
ZROWS = 80
NZBLK = S // ZROWS


def _sc_partials(data, idx2d):
    mesh = plsc.VectorSubcoreMesh(core_axis_name="c", subcore_axis_name="s")

    @functools.partial(
        pl.kernel,
        out_type=jax.ShapeDtypeStruct((NC, S, D), jnp.float32),
        mesh=mesh,
        scratch_types=[
            pltpu.VMEM_SHARED((S, D), jnp.float32),
            pltpu.VMEM((ZROWS, D), jnp.float32),
        ],
    )
    def k(data_hbm, idx_hbm, out_hbm, acc, zbuf):
        cid = lax.axis_index("c")
        sid = lax.axis_index("s")

        @pl.loop(0, ZROWS)
        def _(r):
            @pl.loop(0, D // 16)
            def _(col):
                zbuf[r, pl.ds(col * 16, 16)] = jnp.zeros((16,), jnp.float32)

        @pl.loop(sid, NZBLK, step=NS)
        def _(b):
            pltpu.sync_copy(zbuf, acc.at[pl.ds(b * ZROWS, ZROWS)])

        plsc.subcore_barrier()

        def body(d_vmem, i_vmem):
            for u in range(SUBCHUNKS):
                if SUBCHUNKS == 1:
                    pltpu.sync_copy(d_vmem, acc.at[i_vmem.at[u]], add=True)
                else:
                    pltpu.sync_copy(d_vmem.at[pl.ds(u * CHUNK, CHUNK)],
                                    acc.at[i_vmem.at[u]], add=True)

        off = NTC // (SUBCHUNKS * CHUNK)
        pltpu.emit_pipeline(
            body,
            grid=((NCHUNK - NTC // CHUNK) // SUBCHUNKS,),
            in_specs=[
                pl.BlockSpec((SUBCHUNKS * CHUNK, D), lambda i: (i + off, 0)),
                pl.BlockSpec((SUBCHUNKS, CHUNK), lambda i: (i + off, 0)),
            ],
            out_specs=[],
            core_axis_name=("c", "s"),
            dimension_semantics=(pltpu.PARALLEL,),
        )(data_hbm, idx_hbm)

        plsc.subcore_barrier()

        @pl.loop(sid, NZBLK, step=NS)
        def _(b):
            pltpu.sync_copy(acc.at[pl.ds(b * ZROWS, ZROWS)],
                            out_hbm.at[cid, pl.ds(b * ZROWS, ZROWS)])

    return k(data, idx2d)


RTC = 8192
STC = 2048
WTC = 128
S_PAD = 10176
M_TC = 24
NTC = M_TC * RTC


def _tc_partial(data, ids3d, nb=None):
    if nb is None:
        nb = M_TC

    def body(ids_ref, x_ref, o_ref, acc_ref):
        b = pl.program_id(0)

        @pl.when(b == 0)
        def _():
            acc_ref[...] = jnp.zeros_like(acc_ref)

        ids = ids_ref[0]
        x = x_ref[...]

        for k in range(RTC // STC):
            idsk = ids[:, k * STC:(k + 1) * STC]
            xk = x[k * STC:(k + 1) * STC, :]
            last = idsk[0, STC - 1]
            idsb = jnp.broadcast_to(idsk, (WTC, STC))

            def cond(wb):
                return wb <= last

            def wbody(wb, idsk=idsk, idsb=idsb, xk=xk):
                wb = pl.multiple_of(wb, 8)
                col = jax.lax.broadcasted_iota(jnp.int32, (WTC, STC), 0) + wb
                oh = (col == idsb).astype(jnp.float32)
                p = jnp.dot(oh, xk, preferred_element_type=jnp.float32)
                acc_ref[pl.ds(wb, WTC), :] += p
                nxt = jnp.min(
                    jnp.where(idsk >= wb + WTC, idsk, jnp.int32(2**30)))
                return (nxt // 8) * 8

            jax.lax.while_loop(cond, wbody, (idsk[0, 0] // 8) * 8)

        @pl.when(b == nb - 1)
        def _():
            o_ref[...] = acc_ref[:S, :]

    return pl.pallas_call(
        body,
        grid=(nb,),
        in_specs=[
            pl.BlockSpec((1, 1, RTC), lambda i: (i, 0, 0)),
            pl.BlockSpec((RTC, D), lambda i: (i, 0)),
        ],
        out_specs=pl.BlockSpec((S, D), lambda i: (0, 0)),
        out_shape=jax.ShapeDtypeStruct((S, D), jnp.float32),
        scratch_shapes=[pltpu.VMEM((S_PAD, D), jnp.float32)],
        compiler_params=pltpu.CompilerParams(
            dimension_semantics=("arbitrary",)),
    )(ids3d, data)


def _combine(sc_partials, tc_partial):
    blk = 1000

    def add_body(a_ref, t_ref, o_ref):
        o_ref[...] = a_ref[0] + a_ref[1] + t_ref[...]

    return pl.pallas_call(
        add_body,
        out_shape=jax.ShapeDtypeStruct((S, D), jnp.float32),
        grid=(S // blk,),
        in_specs=[pl.BlockSpec((NC, blk, D), lambda i: (0, i, 0)),
                  pl.BlockSpec((blk, D), lambda i: (i, 0))],
        out_specs=pl.BlockSpec((blk, D), lambda i: (i, 0)),
    )(sc_partials, tc_partial)


def kernel(per_atom_pred, nodes_to_mol_index):
    ids3d = nodes_to_mol_index[:NTC].reshape(M_TC, 1, RTC)
    idx2d = nodes_to_mol_index.reshape(NCHUNK, CHUNK)
    sc_partials = _sc_partials(per_atom_pred, idx2d)
    tc_partial = _tc_partial(per_atom_pred, ids3d)
    return _combine(sc_partials, tc_partial)

# --- scband reference (transcript-rebuilt; emitter-appended) ---
"""Pipeline reference for scband-atomwise-reduce-44684839748258 (READ-ONLY COPY).

The authoritative reference and input builder live on the scoring server;
editing this copy changes nothing except your own understanding.
"""

import jax, jax.numpy as jnp
import numpy as np

NUM_SEGMENTS = 10000

def setup_inputs(seed: int = 0) -> dict:
    key = jax.random.key(seed)
    k1, k2 = jax.random.split(key)
    per_atom_pred = jax.random.normal(k1, (320000, 128), dtype=jnp.float32)
    nodes_to_mol_index = jnp.sort(jax.random.randint(k2, (320000,), 0, NUM_SEGMENTS, dtype=jnp.int64) if jax.config.jax_enable_x64 else jax.random.randint(k2, (320000,), 0, NUM_SEGMENTS).astype(jnp.int32))
    return {"per_atom_pred": per_atom_pred, "nodes_to_mol_index": nodes_to_mol_index}

def reference(per_atom_pred, nodes_to_mol_index):
    # AtomwiseReduce: scatter-sum per-atom predictions into per-molecule predictions,
    # indexed by the atom->molecule mapping, then squeeze.
    out = jax.ops.segment_sum(per_atom_pred, nodes_to_mol_index, num_segments=NUM_SEGMENTS)
    return jnp.squeeze(out)

if __name__ == "__main__":
    import jax
    _d = setup_inputs()
    print(jax.jit(kernel)(*tuple(_d.values())))

</pallas_src>

<mosaic_0001>
#map = affine_map<(d0, d1) -> (0, 0)>
#map1 = affine_map<(d0, d1) -> (0, 0, 0)>
module attributes {stable_mosaic.version = 14 : i64} {
  func.func @k(%arg0: i32, %arg1: i32, %arg2: memref<320000x128xf32, #tpu.memory_space<hbm>>, %arg3: memref<2500x128xi32, #tpu.memory_space<hbm>>, %arg4: memref<2x10000x128xf32, #tpu.memory_space<hbm>>, %arg5: memref<10000x128xf32, #tpu.memory_space<vmem_shared>>, %arg6: memref<80x128xf32, #tpu.memory_space<vmem>>) attributes {dimension_semantics = [#tpu.dimension_semantics<core_parallel>, #tpu.dimension_semantics<subcore_parallel>], iteration_bounds = array<i64: 2, 16>, scalar_prefetch = 0 : i64, scratch_operands = 2 : i64, tpu.core_type = #tpu.core_type<sc_vector_subcore>, window_params = [{transform_indices = #map}, {transform_indices = #map}, {transform_indices = #map1}]} {
    %scan3A = arith.constant 0 : i32
    %scan3A_0 = arith.constant 80 : i32
    %scan3A_1 = arith.addi %scan3A, %scan3A_0 : i32
    %scan3A_2 = arith.constant 1 : i32
    scf.for %scan3A_55 = %scan3A to %scan3A_1 step %scan3A_2  : i32 {
      %mul3A_56 = arith.constant 1 : i32
      %mul3A_57 = arith.muli %scan3A_55, %mul3A_56 : i32
      %add3A_58 = arith.constant 0 : i32
      %add3A_59 = arith.addi %add3A_58, %mul3A_57 : i32
      %scan3A_60 = arith.constant 0 : i32
      %scan3A_61 = arith.constant 8 : i32
      %scan3A_62 = arith.addi %scan3A_60, %scan3A_61 : i32
      %scan3A_63 = arith.constant 1 : i32
      scf.for %scan3A_65 = %scan3A_60 to %scan3A_62 step %scan3A_63  : i32 {
        %mul3A_66 = arith.constant 1 : i32
        %mul3A_67 = arith.muli %scan3A_65, %mul3A_66 : i32
        %add3A_68 = arith.constant 0 : i32
        %add3A_69 = arith.addi %add3A_68, %mul3A_67 : i32
        %broadcast_in_dim3A = arith.constant 0.000000e+00 : f32
        %broadcast_in_dim3A_70 = vector.broadcast %broadcast_in_dim3A : f32 to vector<16xf32>
        %mul3A_71 = arith.constant 16 : i32
        %mul3A_72 = arith.muli %add3A_69, %mul3A_71 : i32
        %swap3A = arith.index_cast %add3A_59 : i32 to index
        %swap3A_73 = arith.index_cast %mul3A_72 : i32 to index
        %swap3A_74 = tpu.vector_load %arg6[%swap3A, %swap3A_73] {strides = array<i32>} : memref<80x128xf32, #tpu.memory_space<vmem>>, vector<1x16xf32>,
        %swap3A_75 = vector.shape_cast %swap3A_74 : vector<1x16xf32> to vector<16xf32>
        %swap3A_76 = vector.shape_cast %broadcast_in_dim3A_70 : vector<16xf32> to vector<1x16xf32>
        tpu.vector_store %arg6[%swap3A, %swap3A_73], %swap3A_76 {strides = array<i32>} : memref<80x128xf32, #tpu.memory_space<vmem>>, vector<1x16xf32>,
      }
      %scan3A_64 = arith.constant 8 : i32
    }
    %scan3A_3 = arith.constant 80 : i32
    %sub3A = arith.constant 125 : i32
    %sub3A_4 = arith.subi %sub3A, %arg1 : i32
    %sub3A_5 = arith.constant 16 : i32
    %sub3A_6 = arith.constant 1 : i32
    %sub3A_7 = arith.subi %sub3A_5, %sub3A_6 : i32
    %add3A = arith.addi %sub3A_4, %sub3A_7 : i32
    %div3A = arith.constant 16 : i32
    %div3A_8 = arith.divsi %add3A, %div3A : i32
    %while3A = arith.constant 16 : i32
    %while3A_9 = arith.constant 0 : i32
    %while3A_10 = arith.subi %div3A_8, %while3A_9 : i32
    %while3A_11 = arith.addi %while3A_9, %while3A_10 : i32
    %while3A_12 = arith.constant 1 : i32
    %while3A_13 = arith.divsi %while3A_10, %while3A_12 : i32
    %while3A_14 = arith.muli %while3A_13, %while3A_12 : i32
    %while3A_15 = arith.addi %while3A_9, %while3A_14 : i32
    %while3A_16 = arith.constant 1 : i32
    scf.for %while3A_55 = %while3A_9 to %while3A_15 step %while3A_16  : i32 {
      %mul3A_56 = arith.muli %while3A_55, %while3A : i32
      %add3A_57 = arith.addi %arg1, %mul3A_56 : i32
      %mul3A_58 = arith.constant 80 : i32
      %mul3A_59 = arith.muli %add3A_57, %mul3A_58 : i32
      "tpu.region"() ({
        %run_scoped3A = tpu.sem_alloc : memref<!tpu.dma_semaphore, #tpu.memory_space<semaphore_mem>>
        %dma_start3A = arith.constant 0 : i32
        %dma_start3A_60 = tpu.memref_slice %arg5[%mul3A_59, %dma_start3A] : memref<10000x128xf32, #tpu.memory_space<vmem_shared>> -> memref<80x128xf32, #tpu.memory_space<vmem_shared>>
        %dma_start3A_61 = arith.constant 0 : i32
        %dma_start3A_62 = tpu.memref_slice %arg5[%mul3A_59, %dma_start3A_61] : memref<10000x128xf32, #tpu.memory_space<vmem_shared>> -> memref<80x128xf32, #tpu.memory_space<vmem_shared>>
        tpu.enqueue_dma source(%arg6 : memref<80x128xf32, #tpu.memory_space<vmem>>) target(%dma_start3A_62 : memref<80x128xf32, #tpu.memory_space<vmem_shared>>) target_semaphore(%run_scoped3A : memref<!tpu.dma_semaphore, #tpu.memory_space<semaphore_mem>>)
        %dma_wait3A = arith.constant 0 : i32
        %dma_wait3A_63 = tpu.memref_slice %arg5[%mul3A_59, %dma_wait3A] : memref<10000x128xf32, #tpu.memory_space<vmem_shared>> -> memref<80x128xf32, #tpu.memory_space<vmem_shared>>
        %dma_wait3A_64 = arith.constant 0 : i32
        %dma_wait3A_65 = tpu.memref_slice %arg5[%mul3A_59, %dma_wait3A_64] : memref<10000x128xf32, #tpu.memory_space<vmem_shared>> -> memref<80x128xf32, #tpu.memory_space<vmem_shared>>
        tpu.wait_dma2 semaphore(%run_scoped3A : memref<!tpu.dma_semaphore, #tpu.memory_space<semaphore_mem>>) src(%arg6 : memref<80x128xf32, #tpu.memory_space<vmem>>) dst(%dma_wait3A_65 : memref<80x128xf32, #tpu.memory_space<vmem_shared>>)
        tpu.yield
      }) : () -> ()
    }
    %while3A_17 = arith.constant 1 : i32
    scf.for %while3A_55 = %while3A_15 to %while3A_11 step %while3A_17  : i32 {
      %mul3A_56 = arith.muli %while3A_55, %while3A : i32
      %add3A_57 = arith.addi %arg1, %mul3A_56 : i32
      %mul3A_58 = arith.constant 80 : i32
      %mul3A_59 = arith.muli %add3A_57, %mul3A_58 : i32
      "tpu.region"() ({
        %run_scoped3A = tpu.sem_alloc : memref<!tpu.dma_semaphore, #tpu.memory_space<semaphore_mem>>
        %dma_start3A = arith.constant 0 : i32
        %dma_start3A_60 = tpu.memref_slice %arg5[%mul3A_59, %dma_start3A] : memref<10000x128xf32, #tpu.memory_space<vmem_shared>> -> memref<80x128xf32, #tpu.memory_space<vmem_shared>>
        %dma_start3A_61 = arith.constant 0 : i32
        %dma_start3A_62 = tpu.memref_slice %arg5[%mul3A_59, %dma_start3A_61] : memref<10000x128xf32, #tpu.memory_space<vmem_shared>> -> memref<80x128xf32, #tpu.memory_space<vmem_shared>>
        tpu.enqueue_dma source(%arg6 : memref<80x128xf32, #tpu.memory_space<vmem>>) target(%dma_start3A_62 : memref<80x128xf32, #tpu.memory_space<vmem_shared>>) target_semaphore(%run_scoped3A : memref<!tpu.dma_semaphore, #tpu.memory_space<semaphore_mem>>)
        %dma_wait3A = arith.constant 0 : i32
        %dma_wait3A_63 = tpu.memref_slice %arg5[%mul3A_59, %dma_wait3A] : memref<10000x128xf32, #tpu.memory_space<vmem_shared>> -> memref<80x128xf32, #tpu.memory_space<vmem_shared>>
        %dma_wait3A_64 = arith.constant 0 : i32
        %dma_wait3A_65 = tpu.memref_slice %arg5[%mul3A_59, %dma_wait3A_64] : memref<10000x128xf32, #tpu.memory_space<vmem_shared>> -> memref<80x128xf32, #tpu.memory_space<vmem_shared>>
        tpu.wait_dma2 semaphore(%run_scoped3A : memref<!tpu.dma_semaphore, #tpu.memory_space<semaphore_mem>>) src(%arg6 : memref<80x128xf32, #tpu.memory_space<vmem>>) dst(%dma_wait3A_65 : memref<80x128xf32, #tpu.memory_space<vmem_shared>>)
        tpu.yield
      }) : () -> ()
    }
    %barrier3A = arith.constant 0 : index
    tpu.barrier barrier_id(%barrier3A)
    %mul3A = arith.constant 1 : i32
    %mul3A_18 = arith.muli %arg1, %mul3A : i32
    %add3A_19 = arith.constant 0 : i32
    %add3A_20 = arith.addi %add3A_19, %mul3A_18 : i32
    %mul3A_21 = arith.constant 16 : i32
    %mul3A_22 = arith.muli %arg0, %mul3A_21 : i32
    %add3A_23 = arith.addi %add3A_20, %mul3A_22 : i32
    %lt3A = arith.constant 4 : i32
    %lt3A_24 = arith.cmpi slt, %add3A_23, %lt3A : i32
    %jit3A = arith.constant 31 : i32
    %jit3A_25 = arith.constant 30 : i32
    %select_n3A = arith.select %lt3A_24, %jit3A, %jit3A_25 : i32
    %lt3A_26 = arith.constant 4 : i32
    %lt3A_27 = arith.cmpi slt, %add3A_23, %lt3A_26 : i32
    %mul3A_28 = arith.muli %add3A_23, %select_n3A : i32
    %mul3A_29 = arith.constant 30 : i32
    %mul3A_30 = arith.muli %add3A_23, %mul3A_29 : i32
    %add3A_31 = arith.constant 4 : i32
    %add3A_32 = arith.addi %mul3A_30, %add3A_31 : i32
    %select_n3A_33 = arith.select %lt3A_27, %mul3A_28, %add3A_32 : i32
    %mul3A_34 = arith.constant 1 : i32
    %mul3A_35 = arith.muli %mul3A_34, %select_n3A : i32
    "tpu.region"() ({
      %run_scoped3A = memref.alloca() : memref<2x128x128xf32, #tpu.memory_space<vmem>>
      %run_scoped3A_55 = tpu.sem_alloc : memref<2x!tpu.dma_semaphore, #tpu.memory_space<semaphore_mem>>
      %run_scoped3A_56 = memref.alloca() : memref<2x1x128xi32, #tpu.memory_space<vmem>>
      %run_scoped3A_57 = tpu.sem_alloc : memref<2x!tpu.dma_semaphore, #tpu.memory_space<semaphore_mem>>
      %gt3A = arith.constant 0 : i32
      %gt3A_58 = arith.cmpi sgt, %mul3A_35, %gt3A : i32
      %convert_element_type3A = arith.extui %gt3A_58 : i1 to i32
      %cond3A = arith.constant 0 : i32
      %cond3A_59 = arith.cmpi ne, %convert_element_type3A, %cond3A : i32
      scf.if %cond3A_59 {
        %mul3A_60 = arith.constant 1 : i32
        %mul3A_61 = arith.muli %mul3A_60, %select_n3A : i32
        %sub3A_62 = arith.constant 1 : i32
        %sub3A_63 = arith.subi %mul3A_61, %sub3A_62 : i32
        %eq3A = arith.constant 0 : i32
        %eq3A_64 = arith.cmpi eq, %sub3A_63, %eq3A : i32
        %add3A_65 = arith.constant 0 : i32
        %add3A_66 = arith.addi %add3A_65, %select_n3A_33 : i32
        %select_n3A_67 = arith.constant true
        %select_n3A_68 = arith.constant 0 : i32
        %select_n3A_69 = arith.constant -1 : i32
        %select_n3A_70 = arith.select %select_n3A_67, %select_n3A_69, %select_n3A_68 : i32
        %eq3A_71 = arith.constant -1 : i32
        %eq3A_72 = arith.cmpi eq, %select_n3A_70, %eq3A_71 : i32
        %sub3A_73 = arith.constant 1 : i32
        %sub3A_74 = arith.subi %select_n3A, %sub3A_73 : i32
        %select_n3A_75 = arith.select %eq3A_72, %sub3A_74, %select_n3A_70 : i32
        %add3A_76 = arith.addi %select_n3A_75, %select_n3A_33 : i32
        %select_n3A_77 = arith.constant true
        %select_n3A_78 = arith.constant 0 : i32
        %select_n3A_79 = arith.constant 1 : i32
        %select_n3A_80 = arith.select %select_n3A_77, %select_n3A_79, %select_n3A_78 : i32
        %eq3A_81 = arith.cmpi eq, %select_n3A_80, %select_n3A : i32
        %select_n3A_82 = arith.constant 0 : i32
        %select_n3A_83 = arith.select %eq3A_81, %select_n3A_82, %select_n3A_80 : i32
        %add3A_84 = arith.addi %select_n3A_83, %select_n3A_33 : i32
        %add3A_85 = arith.constant 1 : i32
        %add3A_86 = arith.addi %select_n3A_83, %add3A_85 : i32
        %select_n3A_87 = arith.constant true
        %select_n3A_88 = arith.select %select_n3A_87, %add3A_86, %select_n3A_83 : i32
        %eq3A_89 = arith.cmpi eq, %select_n3A_88, %select_n3A : i32
        %select_n3A_90 = arith.constant 0 : i32
        %select_n3A_91 = arith.select %eq3A_89, %select_n3A_90, %select_n3A_88 : i32
        %add3A_92 = arith.addi %select_n3A_91, %select_n3A_33 : i32
        "tpu.trace_start"() <{level = 10 : i32, message = "ep_initialize_0"}> : () -> ()
        %rem3A = arith.constant 0 : i32
        %rem3A_93 = arith.constant 2 : i32
        %rem3A_94 = arith.remui %rem3A, %rem3A_93 : i32
        %add3A_95 = arith.constant 1536 : i32
        %add3A_96 = arith.addi %add3A_66, %add3A_95 : i32
        %mul3A_97 = arith.constant 128 : i32
        %mul3A_98 = arith.muli %mul3A_97, %add3A_96 : i32
        %dma_start3A = arith.constant 0 : i32
        %dma_start3A_99 = arith.constant 0 : i32
        %dma_start3A_100 = tpu.memref_slice %run_scoped3A[%rem3A_94, %dma_start3A, %dma_start3A_99] : memref<2x128x128xf32, #tpu.memory_space<vmem>> -> memref<1x128x128xf32, #tpu.memory_space<vmem>>
        %dma_start3A_101 = tpu.memref_squeeze %dma_start3A_100 : memref<1x128x128xf32, #tpu.memory_space<vmem>> -> memref<128x128xf32, #tpu.memory_space<vmem>>
        %dma_start3A_102 = arith.constant 0 : i32
        %dma_start3A_103 = tpu.memref_slice %arg2[%mul3A_98, %dma_start3A_102] : memref<320000x128xf32, #tpu.memory_space<hbm>> -> memref<128x128xf32, #tpu.memory_space<hbm>>
        %dma_start3A_104 = tpu.memref_slice %run_scoped3A_55[%rem3A_94] : memref<2x!tpu.dma_semaphore, #tpu.memory_space<semaphore_mem>> -> memref<1x!tpu.dma_semaphore, #tpu.memory_space<semaphore_mem>>
        %dma_start3A_105 = tpu.memref_squeeze %dma_start3A_104 : memref<1x!tpu.dma_semaphore, #tpu.memory_space<semaphore_mem>> -> memref<!tpu.dma_semaphore, #tpu.memory_space<semaphore_mem>>
        %dma_start3A_106 = arith.constant 0 : i32
        %dma_start3A_107 = arith.constant 0 : i32
        %dma_start3A_108 = tpu.memref_slice %run_scoped3A[%rem3A_94, %dma_start3A_106, %dma_start3A_107] : memref<2x128x128xf32, #tpu.memory_space<vmem>> -> memref<1x128x128xf32, #tpu.memory_space<vmem>>
        %dma_start3A_109 = tpu.memref_squeeze %dma_start3A_108 : memref<1x128x128xf32, #tpu.memory_space<vmem>> -> memref<128x128xf32, #tpu.memory_space<vmem>>
        %dma_start3A_110 = arith.constant 0 : i32
        %dma_start3A_111 = tpu.memref_slice %arg2[%mul3A_98, %dma_start3A_110] : memref<320000x128xf32, #tpu.memory_space<hbm>> -> memref<128x128xf32, #tpu.memory_space<hbm>>
        tpu.enqueue_dma source(%dma_start3A_111 : memref<128x128xf32, #tpu.memory_space<hbm>>) target(%dma_start3A_109 : memref<128x128xf32, #tpu.memory_space<vmem>>) target_semaphore(%dma_start3A_105 : memref<!tpu.dma_semaphore, #tpu.memory_space<semaphore_mem>>)
        %add3A_112 = arith.constant 0 : i32
        %add3A_113 = arith.constant 1 : i32
        %add3A_114 = arith.addi %add3A_112, %add3A_113 : i32
        %select_n3A_115 = arith.constant true
        %select_n3A_116 = arith.constant 0 : i32
        %select_n3A_117 = arith.select %select_n3A_115, %add3A_114, %select_n3A_116 : i32
        %rem3A_118 = arith.constant 0 : i32
        %rem3A_119 = arith.constant 2 : i32
        %rem3A_120 = arith.remui %rem3A_118, %rem3A_119 : i32
        %add3A_121 = arith.constant 1536 : i32
        %add3A_122 = arith.addi %add3A_66, %add3A_121 : i32
        %mul3A_123 = arith.constant 1 : i32
        %mul3A_124 = arith.muli %mul3A_123, %add3A_122 : i32
        %dma_start3A_125 = arith.constant 0 : i32
        %dma_start3A_126 = arith.constant 0 : i32
        %dma_start3A_127 = tpu.memref_slice %run_scoped3A_56[%rem3A_120, %dma_start3A_125, %dma_start3A_126] : memref<2x1x128xi32, #tpu.memory_space<vmem>> -> memref<1x1x128xi32, #tpu.memory_space<vmem>>
        %dma_start3A_128 = tpu.memref_squeeze %dma_start3A_127 : memref<1x1x128xi32, #tpu.memory_space<vmem>> -> memref<1x128xi32, #tpu.memory_space<vmem>>
        %dma_start3A_129 = arith.constant 0 : i32
        %dma_start3A_130 = tpu.memref_slice %arg3[%mul3A_124, %dma_start3A_129] : memref<2500x128xi32, #tpu.memory_space<hbm>> -> memref<1x128xi32, #tpu.memory_space<hbm>>
        %dma_start3A_131 = tpu.memref_slice %run_scoped3A_57[%rem3A_120] : memref<2x!tpu.dma_semaphore, #tpu.memory_space<semaphore_mem>> -> memref<1x!tpu.dma_semaphore, #tpu.memory_space<semaphore_mem>>
        %dma_start3A_132 = tpu.memref_squeeze %dma_start3A_131 : memref<1x!tpu.dma_semaphore, #tpu.memory_space<semaphore_mem>> -> memref<!tpu.dma_semaphore, #tpu.memory_space<semaphore_mem>>
        %dma_start3A_133 = arith.constant 0 : i32
        %dma_start3A_134 = arith.constant 0 : i32
        %dma_start3A_135 = tpu.memref_slice %run_scoped3A_56[%rem3A_120, %dma_start3A_133, %dma_start3A_134] : memref<2x1x128xi32, #tpu.memory_space<vmem>> -> memref<1x1x128xi32, #tpu.memory_space<vmem>>
        %dma_start3A_136 = tpu.memref_squeeze %dma_start3A_135 : memref<1x1x128xi32, #tpu.memory_space<vmem>> -> memref<1x128xi32, #tpu.memory_space<vmem>>
        %dma_start3A_137 = arith.constant 0 : i32
        %dma_start3A_138 = tpu.memref_slice %arg3[%mul3A_124, %dma_start3A_137] : memref<2500x128xi32, #tpu.memory_space<hbm>> -> memref<1x128xi32, #tpu.memory_space<hbm>>
        tpu.enqueue_dma source(%dma_start3A_138 : memref<1x128xi32, #tpu.memory_space<hbm>>) target(%dma_start3A_136 : memref<1x128xi32, #tpu.memory_space<vmem>>) target_semaphore(%dma_start3A_132 : memref<!tpu.dma_semaphore, #tpu.memory_space<semaphore_mem>>)
        %add3A_139 = arith.constant 0 : i32
        %add3A_140 = arith.constant 1 : i32
        %add3A_141 = arith.addi %add3A_139, %add3A_140 : i32
        %select_n3A_142 = arith.constant true
        %select_n3A_143 = arith.constant 0 : i32
        %select_n3A_144 = arith.select %select_n3A_142, %add3A_141, %select_n3A_143 : i32
        %while3A_145 = arith.constant 0 : i32
        %while3A_146 = arith.constant 0 : i32
        %while3A_147 = arith.constant 0 : i32
        %while3A_148 = arith.constant 0 : i32
        "tpu.trace_stop"() : () -> ()
        %while3A_149 = arith.subi %mul3A_35, %while3A_145 : i32
        %while3A_150 = arith.addi %while3A_145, %while3A_149 : i32
        %while3A_151 = arith.constant 1 : i32
        %while3A_152 = arith.divsi %while3A_149, %while3A_151 : i32
        %while3A_153 = arith.muli %while3A_152, %while3A_151 : i32
        %while3A_154 = arith.addi %while3A_145, %while3A_153 : i32
        %while3A_155 = arith.constant 1 : i32
        %while3A_156:5 = scf.for %while3A_210 = %while3A_145 to %while3A_154 step %while3A_155 iter_args(%while3A_211 = %select_n3A_117, %while3A_212 = %while3A_146, %while3A_213 = %select_n3A_144, %while3A_214 = %while3A_147, %while3A_215 = %while3A_148) -> (i32, i32, i32, i32, i32)  : i32 {
          %mul3A_216 = arith.constant 1 : i32
          %mul3A_217 = arith.muli %mul3A_216, %select_n3A : i32
          %eq3A_218 = arith.constant 0 : i32
          %eq3A_219 = arith.cmpi eq, %while3A_210, %eq3A_218 : i32
          %sub3A_220 = arith.constant 1 : i32
          %sub3A_221 = arith.subi %mul3A_217, %sub3A_220 : i32
          %eq3A_222 = arith.cmpi eq, %while3A_210, %sub3A_221 : i32
          %add3A_223 = arith.addi %while3A_215, %select_n3A_33 : i32
          %sub3A_224 = arith.constant 1 : i32
          %sub3A_225 = arith.subi %while3A_215, %sub3A_224 : i32
          %select_n3A_226 = arith.constant true
          %select_n3A_227 = arith.select %select_n3A_226, %sub3A_225, %while3A_215 : i32
          %eq3A_228 = arith.constant -1 : i32
          %eq3A_229 = arith.cmpi eq, %select_n3A_227, %eq3A_228 : i32
          %sub3A_230 = arith.constant 1 : i32
          %sub3A_231 = arith.subi %select_n3A, %sub3A_230 : i32
          %select_n3A_232 = arith.select %eq3A_229, %sub3A_231, %select_n3A_227 : i32
          %add3A_233 = arith.addi %select_n3A_232, %select_n3A_33 : i32
          %add3A_234 = arith.constant 1 : i32
          %add3A_235 = arith.addi %while3A_215, %add3A_234 : i32
          %select_n3A_236 = arith.constant true
          %select_n3A_237 = arith.select %select_n3A_236, %add3A_235, %while3A_215 : i32
          %eq3A_238 = arith.cmpi eq, %select_n3A_237, %select_n3A : i32
          %select_n3A_239 = arith.constant 0 : i32
          %select_n3A_240 = arith.select %eq3A_238, %select_n3A_239, %select_n3A_237 : i32
          %add3A_241 = arith.addi %select_n3A_240, %select_n3A_33 : i32
          %add3A_242 = arith.constant 1 : i32
          %add3A_243 = arith.addi %select_n3A_240, %add3A_242 : i32
          %select_n3A_244 = arith.constant true
          %select_n3A_245 = arith.select %select_n3A_244, %add3A_243, %select_n3A_240 : i32
          %eq3A_246 = arith.cmpi eq, %select_n3A_245, %select_n3A : i32
          %select_n3A_247 = arith.constant 0 : i32
          %select_n3A_248 = arith.select %eq3A_246, %select_n3A_247, %select_n3A_245 : i32
          %add3A_249 = arith.addi %select_n3A_248, %select_n3A_33 : i32
          %add3A_250 = arith.constant 1536 : i32
          %add3A_251 = arith.addi %add3A_223, %add3A_250 : i32
          %add3A_252 = arith.constant 1536 : i32
          %add3A_253 = arith.addi %add3A_241, %add3A_252 : i32
          %ne3A = arith.cmpi ne, %add3A_251, %add3A_253 : i32
          %or3A = arith.constant false
          %or3A_254 = arith.ori %or3A, %ne3A : i1
          %or3A_255 = arith.constant false
          %or3A_256 = arith.ori %or3A_254, %or3A_255 : i1
          %sub3A_257 = arith.constant 2 : i32
          %sub3A_258 = arith.subi %mul3A_217, %sub3A_257 : i32
          %add3A_259 = arith.constant 1 : i32
          %add3A_260 = arith.addi %sub3A_258, %add3A_259 : i32
          %ge3A = arith.cmpi sge, %while3A_210, %add3A_260 : i32
          %not3A = arith.constant true
          %not3A_261 = arith.xori %ge3A, %not3A : i1
          %and3A = arith.andi %or3A_256, %not3A_261 : i1
          %convert_element_type3A_262 = arith.extui %and3A : i1 to i32
          %cond3A_263 = arith.constant 0 : i32
          %cond3A_264 = arith.cmpi ne, %convert_element_type3A_262, %cond3A_263 : i32
          scf.if %cond3A_264 {
            "tpu.trace_start"() <{level = 10 : i32, message = "ep_copy_in"}> : () -> ()
            %rem3A_423 = arith.constant 2 : i32
            %rem3A_424 = arith.remui %while3A_211, %rem3A_423 : i32
            %add3A_425 = arith.constant 1536 : i32
            %add3A_426 = arith.addi %add3A_241, %add3A_425 : i32
            %mul3A_427 = arith.constant 128 : i32
            %mul3A_428 = arith.muli %mul3A_427, %add3A_426 : i32
            %dma_start3A_429 = arith.constant 0 : i32
            %dma_start3A_430 = arith.constant 0 : i32
            %dma_start3A_431 = tpu.memref_slice %run_scoped3A[%rem3A_424, %dma_start3A_429, %dma_start3A_430] : memref<2x128x128xf32, #tpu.memory_space<vmem>> -> memref<1x128x128xf32, #tpu.memory_space<vmem>>
            %dma_start3A_432 = tpu.memref_squeeze %dma_start3A_431 : memref<1x128x128xf32, #tpu.memory_space<vmem>> -> memref<128x128xf32, #tpu.memory_space<vmem>>
            %dma_start3A_433 = arith.constant 0 : i32
            %dma_start3A_434 = tpu.memref_slice %arg2[%mul3A_428, %dma_start3A_433] : memref<320000x128xf32, #tpu.memory_space<hbm>> -> memref<128x128xf32, #tpu.memory_space<hbm>>
            %dma_start3A_435 = tpu.memref_slice %run_scoped3A_55[%rem3A_424] : memref<2x!tpu.dma_semaphore, #tpu.memory_space<semaphore_mem>> -> memref<1x!tpu.dma_semaphore, #tpu.memory_space<semaphore_mem>>
            %dma_start3A_436 = tpu.memref_squeeze %dma_start3A_435 : memref<1x!tpu.dma_semaphore, #tpu.memory_space<semaphore_mem>> -> memref<!tpu.dma_semaphore, #tpu.memory_space<semaphore_mem>>
            %dma_start3A_437 = arith.constant 0 : i32
            %dma_start3A_438 = arith.constant 0 : i32
            %dma_start3A_439 = tpu.memref_slice %run_scoped3A[%rem3A_424, %dma_start3A_437, %dma_start3A_438] : memref<2x128x128xf32, #tpu.memory_space<vmem>> -> memref<1x128x128xf32, #tpu.memory_space<vmem>>
            %dma_start3A_440 = tpu.memref_squeeze %dma_start3A_439 : memref<1x128x128xf32, #tpu.memory_space<vmem>> -> memref<128x128xf32, #tpu.memory_space<vmem>>
            %dma_start3A_441 = arith.constant 0 : i32
            %dma_start3A_442 = tpu.memref_slice %arg2[%mul3A_428, %dma_start3A_441] : memref<320000x128xf32, #tpu.memory_space<hbm>> -> memref<128x128xf32, #tpu.memory_space<hbm>>
            tpu.enqueue_dma source(%dma_start3A_442 : memref<128x128xf32, #tpu.memory_space<hbm>>) target(%dma_start3A_440 : memref<128x128xf32, #tpu.memory_space<vmem>>) target_semaphore(%dma_start3A_436 : memref<!tpu.dma_semaphore, #tpu.memory_space<semaphore_mem>>)
            "tpu.trace_stop"() : () -> ()
          } else {
          }
          %and3A_265 = arith.constant true
          %and3A_266 = arith.andi %and3A, %and3A_265 : i1
          %add3A_267 = arith.constant 1 : i32
          %add3A_268 = arith.addi %while3A_211, %add3A_267 : i32
          %select_n3A_269 = arith.select %and3A_266, %add3A_268, %while3A_211 : i32
          %add3A_270 = arith.constant 1536 : i32
          %add3A_271 = arith.addi %add3A_223, %add3A_270 : i32
          %add3A_272 = arith.constant 1536 : i32
          %add3A_273 = arith.addi %add3A_241, %add3A_272 : i32
          %ne3A_274 = arith.cmpi ne, %add3A_271, %add3A_273 : i32
          %or3A_275 = arith.constant false
          %or3A_276 = arith.ori %or3A_275, %ne3A_274 : i1
          %or3A_277 = arith.constant false
          %or3A_278 = arith.ori %or3A_276, %or3A_277 : i1
          %sub3A_279 = arith.constant 2 : i32
          %sub3A_280 = arith.subi %mul3A_217, %sub3A_279 : i32
          %add3A_281 = arith.constant 1 : i32
          %add3A_282 = arith.addi %sub3A_280, %add3A_281 : i32
          %ge3A_283 = arith.cmpi sge, %while3A_210, %add3A_282 : i32
          %not3A_284 = arith.constant true
          %not3A_285 = arith.xori %ge3A_283, %not3A_284 : i1
          %and3A_286 = arith.andi %or3A_278, %not3A_285 : i1
          %convert_element_type3A_287 = arith.extui %and3A_286 : i1 to i32
          %cond3A_288 = arith.constant 0 : i32
          %cond3A_289 = arith.cmpi ne, %convert_element_type3A_287, %cond3A_288 : i32
          scf.if %cond3A_289 {
            "tpu.trace_start"() <{level = 10 : i32, message = "ep_copy_in"}> : () -> ()
            %rem3A_423 = arith.constant 2 : i32
            %rem3A_424 = arith.remui %while3A_213, %rem3A_423 : i32
            %add3A_425 = arith.constant 1536 : i32
            %add3A_426 = arith.addi %add3A_241, %add3A_425 : i32
            %mul3A_427 = arith.constant 1 : i32
            %mul3A_428 = arith.muli %mul3A_427, %add3A_426 : i32
            %dma_start3A_429 = arith.constant 0 : i32
            %dma_start3A_430 = arith.constant 0 : i32
            %dma_start3A_431 = tpu.memref_slice %run_scoped3A_56[%rem3A_424, %dma_start3A_429, %dma_start3A_430] : memref<2x1x128xi32, #tpu.memory_space<vmem>> -> memref<1x1x128xi32, #tpu.memory_space<vmem>>
            %dma_start3A_432 = tpu.memref_squeeze %dma_start3A_431 : memref<1x1x128xi32, #tpu.memory_space<vmem>> -> memref<1x128xi32, #tpu.memory_space<vmem>>
            %dma_start3A_433 = arith.constant 0 : i32
            %dma_start3A_434 = tpu.memref_slice %arg3[%mul3A_428, %dma_start3A_433] : memref<2500x128xi32, #tpu.memory_space<hbm>> -> memref<1x128xi32, #tpu.memory_space<hbm>>
            %dma_start3A_435 = tpu.memref_slice %run_scoped3A_57[%rem3A_424] : memref<2x!tpu.dma_semaphore, #tpu.memory_space<semaphore_mem>> -> memref<1x!tpu.dma_semaphore, #tpu.memory_space<semaphore_mem>>
            %dma_start3A_436 = tpu.memref_squeeze %dma_start3A_435 : memref<1x!tpu.dma_semaphore, #tpu.memory_space<semaphore_mem>> -> memref<!tpu.dma_semaphore, #tpu.memory_space<semaphore_mem>>
            %dma_start3A_437 = arith.constant 0 : i32
            %dma_start3A_438 = arith.constant 0 : i32
            %dma_start3A_439 = tpu.memref_slice %run_scoped3A_56[%rem3A_424, %dma_start3A_437, %dma_start3A_438] : memref<2x1x128xi32, #tpu.memory_space<vmem>> -> memref<1x1x128xi32, #tpu.memory_space<vmem>>
            %dma_start3A_440 = tpu.memref_squeeze %dma_start3A_439 : memref<1x1x128xi32, #tpu.memory_space<vmem>> -> memref<1x128xi32, #tpu.memory_space<vmem>>
            %dma_start3A_441 = arith.constant 0 : i32
            %dma_start3A_442 = tpu.memref_slice %arg3[%mul3A_428, %dma_start3A_441] : memref<2500x128xi32, #tpu.memory_space<hbm>> -> memref<1x128xi32, #tpu.memory_space<hbm>>
            tpu.enqueue_dma source(%dma_start3A_442 : memref<1x128xi32, #tpu.memory_space<hbm>>) target(%dma_start3A_440 : memref<1x128xi32, #tpu.memory_space<vmem>>) target_semaphore(%dma_start3A_436 : memref<!tpu.dma_semaphore, #tpu.memory_space<semaphore_mem>>)
            "tpu.trace_stop"() : () -> ()
          } else {
          }
          %and3A_290 = arith.constant true
          %and3A_291 = arith.andi %and3A_286, %and3A_290 : i1
          %add3A_292 = arith.constant 1 : i32
          %add3A_293 = arith.addi %while3A_213, %add3A_292 : i32
          %select_n3A_294 = arith.select %and3A_291, %add3A_293, %while3A_213 : i32
          %add3A_295 = arith.constant 1536 : i32
          %add3A_296 = arith.addi %add3A_223, %add3A_295 : i32
          %add3A_297 = arith.constant 1536 : i32
          %add3A_298 = arith.addi %add3A_233, %add3A_297 : i32
          %ne3A_299 = arith.cmpi ne, %add3A_296, %add3A_298 : i32
          %or3A_300 = arith.constant false
          %or3A_301 = arith.ori %or3A_300, %ne3A_299 : i1
          %or3A_302 = arith.constant false
          %or3A_303 = arith.ori %or3A_301, %or3A_302 : i1
          %or3A_304 = arith.ori %or3A_303, %eq3A_219 : i1
          %convert_element_type3A_305 = arith.extui %or3A_304 : i1 to i32
          %cond3A_306 = arith.constant 0 : i32
          %cond3A_307 = arith.cmpi ne, %convert_element_type3A_305, %cond3A_306 : i32
          scf.if %cond3A_307 {
            "tpu.trace_start"() <{level = 10 : i32, message = "ep_wait_in"}> : () -> ()
            %add3A_423 = arith.constant 1536 : i32
            %add3A_424 = arith.addi %add3A_223, %add3A_423 : i32
            %mul3A_425 = arith.constant 128 : i32
            %mul3A_426 = arith.muli %mul3A_425, %add3A_424 : i32
            %rem3A_427 = arith.constant 2 : i32
            %rem3A_428 = arith.remui %while3A_212, %rem3A_427 : i32
            %dma_wait3A = arith.constant 0 : i32
            %dma_wait3A_429 = arith.constant 0 : i32
            %dma_wait3A_430 = tpu.memref_slice %run_scoped3A[%rem3A_428, %dma_wait3A, %dma_wait3A_429] : memref<2x128x128xf32, #tpu.memory_space<vmem>> -> memref<1x128x128xf32, #tpu.memory_space<vmem>>
            %dma_wait3A_431 = tpu.memref_squeeze %dma_wait3A_430 : memref<1x128x128xf32, #tpu.memory_space<vmem>> -> memref<128x128xf32, #tpu.memory_space<vmem>>
            %dma_wait3A_432 = arith.constant 0 : i32
            %dma_wait3A_433 = tpu.memref_slice %arg2[%mul3A_426, %dma_wait3A_432] : memref<320000x128xf32, #tpu.memory_space<hbm>> -> memref<128x128xf32, #tpu.memory_space<hbm>>
            %dma_wait3A_434 = tpu.memref_slice %run_scoped3A_55[%rem3A_428] : memref<2x!tpu.dma_semaphore, #tpu.memory_space<semaphore_mem>> -> memref<1x!tpu.dma_semaphore, #tpu.memory_space<semaphore_mem>>
            %dma_wait3A_435 = tpu.memref_squeeze %dma_wait3A_434 : memref<1x!tpu.dma_semaphore, #tpu.memory_space<semaphore_mem>> -> memref<!tpu.dma_semaphore, #tpu.memory_space<semaphore_mem>>
            %dma_wait3A_436 = arith.constant 0 : i32
            %dma_wait3A_437 = arith.constant 0 : i32
            %dma_wait3A_438 = tpu.memref_slice %run_scoped3A[%rem3A_428, %dma_wait3A_436, %dma_wait3A_437] : memref<2x128x128xf32, #tpu.memory_space<vmem>> -> memref<1x128x128xf32, #tpu.memory_space<vmem>>
            %dma_wait3A_439 = tpu.memref_squeeze %dma_wait3A_438 : memref<1x128x128xf32, #tpu.memory_space<vmem>> -> memref<128x128xf32, #tpu.memory_space<vmem>>
            %dma_wait3A_440 = arith.constant 0 : i32
            %dma_wait3A_441 = tpu.memref_slice %arg2[%mul3A_426, %dma_wait3A_440] : memref<320000x128xf32, #tpu.memory_space<hbm>> -> memref<128x128xf32, #tpu.memory_space<hbm>>
            tpu.wait_dma2 semaphore(%dma_wait3A_435 : memref<!tpu.dma_semaphore, #tpu.memory_space<semaphore_mem>>) src(%dma_wait3A_441 : memref<128x128xf32, #tpu.memory_space<hbm>>) dst(%dma_wait3A_439 : memref<128x128xf32, #tpu.memory_space<vmem>>)
            "tpu.trace_stop"() : () -> ()
          } else {
          }
          %add3A_308 = arith.constant 1536 : i32
          %add3A_309 = arith.addi %add3A_223, %add3A_308 : i32
          %add3A_310 = arith.constant 1536 : i32
          %add3A_311 = arith.addi %add3A_233, %add3A_310 : i32
          %ne3A_312 = arith.cmpi ne, %add3A_309, %add3A_311 : i32
          %or3A_313 = arith.constant false
          %or3A_314 = arith.ori %or3A_313, %ne3A_312 : i1
          %or3A_315 = arith.constant false
          %or3A_316 = arith.ori %or3A_314, %or3A_315 : i1
          %or3A_317 = arith.ori %or3A_316, %eq3A_219 : i1
          %convert_element_type3A_318 = arith.extui %or3A_317 : i1 to i32
          %cond3A_319 = arith.constant 0 : i32
          %cond3A_320 = arith.cmpi ne, %convert_element_type3A_318, %cond3A_319 : i32
          scf.if %cond3A_320 {
            "tpu.trace_start"() <{level = 10 : i32, message = "ep_wait_in"}> : () -> ()
            %add3A_423 = arith.constant 1536 : i32
            %add3A_424 = arith.addi %add3A_223, %add3A_423 : i32
            %mul3A_425 = arith.constant 1 : i32
            %mul3A_426 = arith.muli %mul3A_425, %add3A_424 : i32
            %rem3A_427 = arith.constant 2 : i32
            %rem3A_428 = arith.remui %while3A_214, %rem3A_427 : i32
            %dma_wait3A = arith.constant 0 : i32
            %dma_wait3A_429 = arith.constant 0 : i32
            %dma_wait3A_430 = tpu.memref_slice %run_scoped3A_56[%rem3A_428, %dma_wait3A, %dma_wait3A_429] : memref<2x1x128xi32, #tpu.memory_space<vmem>> -> memref<1x1x128xi32, #tpu.memory_space<vmem>>
            %dma_wait3A_431 = tpu.memref_squeeze %dma_wait3A_430 : memref<1x1x128xi32, #tpu.memory_space<vmem>> -> memref<1x128xi32, #tpu.memory_space<vmem>>
            %dma_wait3A_432 = arith.constant 0 : i32
            %dma_wait3A_433 = tpu.memref_slice %arg3[%mul3A_426, %dma_wait3A_432] : memref<2500x128xi32, #tpu.memory_space<hbm>> -> memref<1x128xi32, #tpu.memory_space<hbm>>
            %dma_wait3A_434 = tpu.memref_slice %run_scoped3A_57[%rem3A_428] : memref<2x!tpu.dma_semaphore, #tpu.memory_space<semaphore_mem>> -> memref<1x!tpu.dma_semaphore, #tpu.memory_space<semaphore_mem>>
            %dma_wait3A_435 = tpu.memref_squeeze %dma_wait3A_434 : memref<1x!tpu.dma_semaphore, #tpu.memory_space<semaphore_mem>> -> memref<!tpu.dma_semaphore, #tpu.memory_space<semaphore_mem>>
            %dma_wait3A_436 = arith.constant 0 : i32
            %dma_wait3A_437 = arith.constant 0 : i32
            %dma_wait3A_438 = tpu.memref_slice %run_scoped3A_56[%rem3A_428, %dma_wait3A_436, %dma_wait3A_437] : memref<2x1x128xi32, #tpu.memory_space<vmem>> -> memref<1x1x128xi32, #tpu.memory_space<vmem>>
            %dma_wait3A_439 = tpu.memref_squeeze %dma_wait3A_438 : memref<1x1x128xi32, #tpu.memory_space<vmem>> -> memref<1x128xi32, #tpu.memory_space<vmem>>
            %dma_wait3A_440 = arith.constant 0 : i32
            %dma_wait3A_441 = tpu.memref_slice %arg3[%mul3A_426, %dma_wait3A_440] : memref<2500x128xi32, #tpu.memory_space<hbm>> -> memref<1x128xi32, #tpu.memory_space<hbm>>
            tpu.wait_dma2 semaphore(%dma_wait3A_435 : memref<!tpu.dma_semaphore, #tpu.memory_space<semaphore_mem>>) src(%dma_wait3A_441 : memref<1x128xi32, #tpu.memory_space<hbm>>) dst(%dma_wait3A_439 : memref<1x128xi32, #tpu.memory_space<vmem>>)
            "tpu.trace_stop"() : () -> ()
          } else {
          }
          %rem3A_321 = arith.constant 2 : i32
          %rem3A_322 = arith.remui %while3A_212, %rem3A_321 : i32
          %rem3A_323 = arith.constant 2 : i32
          %rem3A_324 = arith.remui %while3A_214, %rem3A_323 : i32
          %run_scoped3A_325 = arith.constant 0 : i32
          "tpu.trace_start"() <{level = 10 : i32, message = "ep_run_kernel"}> : () -> ()
          "tpu.region"() ({
            %run_scoped3A_423 = tpu.sem_alloc : memref<!tpu.dma_semaphore, #tpu.memory_space<semaphore_mem>>
            %dma_start3A_424 = arith.constant 0 : i32
            %dma_start3A_425 = arith.constant 0 : i32
            %dma_start3A_426 = tpu.memref_slice %run_scoped3A[%rem3A_322, %dma_start3A_424, %dma_start3A_425] : memref<2x128x128xf32, #tpu.memory_space<vmem>> -> memref<1x128x128xf32, #tpu.memory_space<vmem>>
            %dma_start3A_427 = tpu.memref_squeeze %dma_start3A_426 : memref<1x128x128xf32, #tpu.memory_space<vmem>> -> memref<128x128xf32, #tpu.memory_space<vmem>>
            %dma_start3A_428 = arith.constant 0 : i32
            %dma_start3A_429 = arith.constant 0 : i32
            %dma_start3A_430 = tpu.memref_slice %run_scoped3A_56[%rem3A_324, %dma_start3A_428, %dma_start3A_429] : memref<2x1x128xi32, #tpu.memory_space<vmem>> -> memref<1x1x128xi32, #tpu.memory_space<vmem>>
            %dma_start3A_431 = tpu.memref_squeeze %dma_start3A_430 : memref<1x1x128xi32, #tpu.memory_space<vmem>> -> memref<1x128xi32, #tpu.memory_space<vmem>>
            %dma_start3A_432 = arith.constant 0 : i32
            %dma_start3A_433 = tpu.memref_slice %dma_start3A_431[%run_scoped3A_325, %dma_start3A_432] : memref<1x128xi32, #tpu.memory_space<vmem>> -> memref<1x128xi32, #tpu.memory_space<vmem>>
            %dma_start3A_434 = tpu.memref_squeeze %dma_start3A_433 : memref<1x128xi32, #tpu.memory_space<vmem>> -> memref<128xi32, #tpu.memory_space<vmem>>
            %dma_start3A_435 = arith.constant 0 : i32
            %dma_start3A_436 = arith.constant 0 : i32
            %dma_start3A_437 = tpu.memref_slice %arg5[%dma_start3A_435, %dma_start3A_436] : memref<10000x128xf32, #tpu.memory_space<vmem_shared>> -> memref<10000x128xf32, #tpu.memory_space<vmem_shared>>
            tpu.enqueue_indirect_dma source(%dma_start3A_427 : memref<128x128xf32, #tpu.memory_space<vmem>>) target(%dma_start3A_437 : memref<10000x128xf32, #tpu.memory_space<vmem_shared>>) offsets(%dma_start3A_434 : memref<128xi32, #tpu.memory_space<vmem>>) semaphore(%run_scoped3A_423 : memref<!tpu.dma_semaphore, #tpu.memory_space<semaphore_mem>>) {add = true}
            %dma_wait3A = arith.constant 0 : i32
            %dma_wait3A_438 = arith.constant 0 : i32
            %dma_wait3A_439 = tpu.memref_slice %run_scoped3A[%rem3A_322, %dma_wait3A, %dma_wait3A_438] : memref<2x128x128xf32, #tpu.memory_space<vmem>> -> memref<1x128x128xf32, #tpu.memory_space<vmem>>
            %dma_wait3A_440 = tpu.memref_squeeze %dma_wait3A_439 : memref<1x128x128xf32, #tpu.memory_space<vmem>> -> memref<128x128xf32, #tpu.memory_space<vmem>>
            %dma_wait3A_441 = arith.constant 0 : i32
            %dma_wait3A_442 = arith.constant 0 : i32
            %dma_wait3A_443 = tpu.memref_slice %run_scoped3A_56[%rem3A_324, %dma_wait3A_441, %dma_wait3A_442] : memref<2x1x128xi32, #tpu.memory_space<vmem>> -> memref<1x1x128xi32, #tpu.memory_space<vmem>>
            %dma_wait3A_444 = tpu.memref_squeeze %dma_wait3A_443 : memref<1x1x128xi32, #tpu.memory_space<vmem>> -> memref<1x128xi32, #tpu.memory_space<vmem>>
            %dma_wait3A_445 = arith.constant 0 : i32
            %dma_wait3A_446 = tpu.memref_slice %dma_wait3A_444[%run_scoped3A_325, %dma_wait3A_445] : memref<1x128xi32, #tpu.memory_space<vmem>> -> memref<1x128xi32, #tpu.memory_space<vmem>>
            %dma_wait3A_447 = tpu.memref_squeeze %dma_wait3A_446 : memref<1x128xi32, #tpu.memory_space<vmem>> -> memref<128xi32, #tpu.memory_space<vmem>>
            %dma_wait3A_448 = arith.constant 0 : i32
            %dma_wait3A_449 = arith.constant 0 : i32
            %dma_wait3A_450 = tpu.memref_slice %arg5[%dma_wait3A_448, %dma_wait3A_449] : memref<10000x128xf32, #tpu.memory_space<vmem_shared>> -> memref<10000x128xf32, #tpu.memory_space<vmem_shared>>
            tpu.wait_indirect_dma semaphore(%run_scoped3A_423 : memref<!tpu.dma_semaphore, #tpu.memory_space<semaphore_mem>>) src(%dma_wait3A_440 : memref<128x128xf32, #tpu.memory_space<vmem>>) dst(%dma_wait3A_450 : memref<10000x128xf32, #tpu.memory_space<vmem_shared>>)
            tpu.yield
          }) : () -> ()
          "tpu.trace_stop"() : () -> ()
          %add3A_326 = arith.constant 1536 : i32
          %add3A_327 = arith.addi %add3A_223, %add3A_326 : i32
          %add3A_328 = arith.constant 1536 : i32
          %add3A_329 = arith.addi %add3A_241, %add3A_328 : i32
          %ne3A_330 = arith.cmpi ne, %add3A_327, %add3A_329 : i32
          %or3A_331 = arith.constant false
          %or3A_332 = arith.ori %or3A_331, %ne3A_330 : i1
          %or3A_333 = arith.constant false
          %or3A_334 = arith.ori %or3A_332, %or3A_333 : i1
          %or3A_335 = arith.ori %or3A_334, %eq3A_222 : i1
          %convert_element_type3A_336 = arith.extui %or3A_335 : i1 to i32
          %cond3A_337 = arith.constant 0 : i32
          %cond3A_338 = arith.cmpi ne, %convert_element_type3A_336, %cond3A_337 : i32
          scf.if %cond3A_338 {
          } else {
          }
          %and3A_339 = arith.constant false
          %and3A_340 = arith.andi %or3A_335, %and3A_339 : i1
          %add3A_341 = arith.constant 1536 : i32
          %add3A_342 = arith.addi %add3A_223, %add3A_341 : i32
          %add3A_343 = arith.constant 1536 : i32
          %add3A_344 = arith.addi %add3A_241, %add3A_343 : i32
          %ne3A_345 = arith.cmpi ne, %add3A_342, %add3A_344 : i32
          %or3A_346 = arith.constant false
          %or3A_347 = arith.ori %or3A_346, %ne3A_345 : i1
          %or3A_348 = arith.constant false
          %or3A_349 = arith.ori %or3A_347, %or3A_348 : i1
          %or3A_350 = arith.ori %or3A_349, %eq3A_222 : i1
          %convert_element_type3A_351 = arith.extui %or3A_350 : i1 to i32
          %cond3A_352 = arith.constant 0 : i32
          %cond3A_353 = arith.cmpi ne, %convert_element_type3A_351, %cond3A_352 : i32
          scf.if %cond3A_353 {
          } else {
          }
          %and3A_354 = arith.constant false
          %and3A_355 = arith.andi %or3A_350, %and3A_354 : i1
          %add3A_356 = arith.constant 1536 : i32
          %add3A_357 = arith.addi %add3A_223, %add3A_356 : i32
          %add3A_358 = arith.constant 1536 : i32
          %add3A_359 = arith.addi %add3A_233, %add3A_358 : i32
          %ne3A_360 = arith.cmpi ne, %add3A_357, %add3A_359 : i32
          %or3A_361 = arith.constant false
          %or3A_362 = arith.ori %or3A_361, %ne3A_360 : i1
          %or3A_363 = arith.constant false
          %or3A_364 = arith.ori %or3A_362, %or3A_363 : i1
          %not3A_365 = arith.constant true
          %not3A_366 = arith.xori %eq3A_219, %not3A_365 : i1
          %and3A_367 = arith.andi %or3A_364, %not3A_366 : i1
          %convert_element_type3A_368 = arith.extui %and3A_367 : i1 to i32
          %cond3A_369 = arith.constant 0 : i32
          %cond3A_370 = arith.cmpi ne, %convert_element_type3A_368, %cond3A_369 : i32
          scf.if %cond3A_370 {
          } else {
          }
          %and3A_371 = arith.constant false
          %and3A_372 = arith.andi %and3A_367, %and3A_371 : i1
          %add3A_373 = arith.constant 1536 : i32
          %add3A_374 = arith.addi %add3A_223, %add3A_373 : i32
          %add3A_375 = arith.constant 1536 : i32
          %add3A_376 = arith.addi %add3A_233, %add3A_375 : i32
          %ne3A_377 = arith.cmpi ne, %add3A_374, %add3A_376 : i32
          %or3A_378 = arith.constant false
          %or3A_379 = arith.ori %or3A_378, %ne3A_377 : i1
          %or3A_380 = arith.constant false
          %or3A_381 = arith.ori %or3A_379, %or3A_380 : i1
          %not3A_382 = arith.constant true
          %not3A_383 = arith.xori %eq3A_219, %not3A_382 : i1
          %and3A_384 = arith.andi %or3A_381, %not3A_383 : i1
          %convert_element_type3A_385 = arith.extui %and3A_384 : i1 to i32
          %cond3A_386 = arith.constant 0 : i32
          %cond3A_387 = arith.cmpi ne, %convert_element_type3A_385, %cond3A_386 : i32
          scf.if %cond3A_387 {
          } else {
          }
          %and3A_388 = arith.constant false
          %and3A_389 = arith.andi %and3A_384, %and3A_388 : i1
          %add3A_390 = arith.constant 1536 : i32
          %add3A_391 = arith.addi %add3A_223, %add3A_390 : i32
          %add3A_392 = arith.constant 1536 : i32
          %add3A_393 = arith.addi %add3A_241, %add3A_392 : i32
          %ne3A_394 = arith.cmpi ne, %add3A_391, %add3A_393 : i32
          %or3A_395 = arith.constant false
          %or3A_396 = arith.ori %or3A_395, %ne3A_394 : i1
          %or3A_397 = arith.constant false
          %or3A_398 = arith.ori %or3A_396, %or3A_397 : i1
          %or3A_399 = arith.ori %or3A_398, %eq3A_222 : i1
          %add3A_400 = arith.constant 1 : i32
          %add3A_401 = arith.addi %while3A_212, %add3A_400 : i32
          %select_n3A_402 = arith.select %or3A_399, %add3A_401, %while3A_212 : i32
          %add3A_403 = arith.constant 1536 : i32
          %add3A_404 = arith.addi %add3A_223, %add3A_403 : i32
          %add3A_405 = arith.constant 1536 : i32
          %add3A_406 = arith.addi %add3A_241, %add3A_405 : i32
          %ne3A_407 = arith.cmpi ne, %add3A_404, %add3A_406 : i32
          %or3A_408 = arith.constant false
          %or3A_409 = arith.ori %or3A_408, %ne3A_407 : i1
          %or3A_410 = arith.constant false
          %or3A_411 = arith.ori %or3A_409, %or3A_410 : i1
          %or3A_412 = arith.ori %or3A_411, %eq3A_222 : i1
          %add3A_413 = arith.constant 1 : i32
          %add3A_414 = arith.addi %while3A_214, %add3A_413 : i32
          %select_n3A_415 = arith.select %or3A_412, %add3A_414, %while3A_214 : i32
          %add3A_416 = arith.constant 1 : i32
          %add3A_417 = arith.addi %while3A_215, %add3A_416 : i32
          %select_n3A_418 = arith.constant true
          %select_n3A_419 = arith.select %select_n3A_418, %add3A_417, %while3A_215 : i32
          %eq3A_420 = arith.cmpi eq, %select_n3A_419, %select_n3A : i32
          %select_n3A_421 = arith.constant 0 : i32
          %select_n3A_422 = arith.select %eq3A_420, %select_n3A_421, %select_n3A_419 : i32
          scf.yield %select_n3A_269, %select_n3A_402, %select_n3A_294, %select_n3A_415, %select_n3A_422 : i32, i32, i32, i32, i32
        }
        %while3A_157 = arith.constant 1 : i32
        %while3A_158:5 = scf.for %while3A_210 = %while3A_154 to %while3A_150 step %while3A_157 iter_args(%while3A_211 = %while3A_156#0, %while3A_212 = %while3A_156#1, %while3A_213 = %while3A_156#2, %while3A_214 = %while3A_156#3, %while3A_215 = %while3A_156#4) -> (i32, i32, i32, i32, i32)  : i32 {
          %mul3A_216 = arith.constant 1 : i32
          %mul3A_217 = arith.muli %mul3A_216, %select_n3A : i32
          %eq3A_218 = arith.constant 0 : i32
          %eq3A_219 = arith.cmpi eq, %while3A_210, %eq3A_218 : i32
          %sub3A_220 = arith.constant 1 : i32
          %sub3A_221 = arith.subi %mul3A_217, %sub3A_220 : i32
          %eq3A_222 = arith.cmpi eq, %while3A_210, %sub3A_221 : i32
          %add3A_223 = arith.addi %while3A_215, %select_n3A_33 : i32
          %sub3A_224 = arith.constant 1 : i32
          %sub3A_225 = arith.subi %while3A_215, %sub3A_224 : i32
          %select_n3A_226 = arith.constant true
          %select_n3A_227 = arith.select %select_n3A_226, %sub3A_225, %while3A_215 : i32
          %eq3A_228 = arith.constant -1 : i32
          %eq3A_229 = arith.cmpi eq, %select_n3A_227, %eq3A_228 : i32
          %sub3A_230 = arith.constant 1 : i32
          %sub3A_231 = arith.subi %select_n3A, %sub3A_230 : i32
          %select_n3A_232 = arith.select %eq3A_229, %sub3A_231, %select_n3A_227 : i32
          %add3A_233 = arith.addi %select_n3A_232, %select_n3A_33 : i32
          %add3A_234 = arith.constant 1 : i32
          %add3A_235 = arith.addi %while3A_215, %add3A_234 : i32
          %select_n3A_236 = arith.constant true
          %select_n3A_237 = arith.select %select_n3A_236, %add3A_235, %while3A_215 : i32
          %eq3A_238 = arith.cmpi eq, %select_n3A_237, %select_n3A : i32
          %select_n3A_239 = arith.constant 0 : i32
          %select_n3A_240 = arith.select %eq3A_238, %select_n3A_239, %select_n3A_237 : i32
          %add3A_241 = arith.addi %select_n3A_240, %select_n3A_33 : i32
          %add3A_242 = arith.constant 1 : i32
          %add3A_243 = arith.addi %select_n3A_240, %add3A_242 : i32
          %select_n3A_244 = arith.constant true
          %select_n3A_245 = arith.select %select_n3A_244, %add3A_243, %select_n3A_240 : i32
          %eq3A_246 = arith.cmpi eq, %select_n3A_245, %select_n3A : i32
          %select_n3A_247 = arith.constant 0 : i32
          %select_n3A_248 = arith.select %eq3A_246, %select_n3A_247, %select_n3A_245 : i32
          %add3A_249 = arith.addi %select_n3A_248, %select_n3A_33 : i32
          %add3A_250 = arith.constant 1536 : i32
          %add3A_251 = arith.addi %add3A_223, %add3A_250 : i32
          %add3A_252 = arith.constant 1536 : i32
          %add3A_253 = arith.addi %add3A_241, %add3A_252 : i32
          %ne3A = arith.cmpi ne, %add3A_251, %add3A_253 : i32
          %or3A = arith.constant false
          %or3A_254 = arith.ori %or3A, %ne3A : i1
          %or3A_255 = arith.constant false
          %or3A_256 = arith.ori %or3A_254, %or3A_255 : i1
          %sub3A_257 = arith.constant 2 : i32
          %sub3A_258 = arith.subi %mul3A_217, %sub3A_257 : i32
          %add3A_259 = arith.constant 1 : i32
          %add3A_260 = arith.addi %sub3A_258, %add3A_259 : i32
          %ge3A = arith.cmpi sge, %while3A_210, %add3A_260 : i32
          %not3A = arith.constant true
          %not3A_261 = arith.xori %ge3A, %not3A : i1
          %and3A = arith.andi %or3A_256, %not3A_261 : i1
          %convert_element_type3A_262 = arith.extui %and3A : i1 to i32
          %cond3A_263 = arith.constant 0 : i32
          %cond3A_264 = arith.cmpi ne, %convert_element_type3A_262, %cond3A_263 : i32
          scf.if %cond3A_264 {
            "tpu.trace_start"() <{level = 10 : i32, message = "ep_copy_in"}> : () -> ()
            %rem3A_423 = arith.constant 2 : i32
            %rem3A_424 = arith.remui %while3A_211, %rem3A_423 : i32
            %add3A_425 = arith.constant 1536 : i32
            %add3A_426 = arith.addi %add3A_241, %add3A_425 : i32
            %mul3A_427 = arith.constant 128 : i32
            %mul3A_428 = arith.muli %mul3A_427, %add3A_426 : i32
            %dma_start3A_429 = arith.constant 0 : i32
            %dma_start3A_430 = arith.constant 0 : i32
            %dma_start3A_431 = tpu.memref_slice %run_scoped3A[%rem3A_424, %dma_start3A_429, %dma_start3A_430] : memref<2x128x128xf32, #tpu.memory_space<vmem>> -> memref<1x128x128xf32, #tpu.memory_space<vmem>>
            %dma_start3A_432 = tpu.memref_squeeze %dma_start3A_431 : memref<1x128x128xf32, #tpu.memory_space<vmem>> -> memref<128x128xf32, #tpu.memory_space<vmem>>
            %dma_start3A_433 = arith.constant 0 : i32
            %dma_start3A_434 = tpu.memref_slice %arg2[%mul3A_428, %dma_start3A_433] : memref<320000x128xf32, #tpu.memory_space<hbm>> -> memref<128x128xf32, #tpu.memory_space<hbm>>
            %dma_start3A_435 = tpu.memref_slice %run_scoped3A_55[%rem3A_424] : memref<2x!tpu.dma_semaphore, #tpu.memory_space<semaphore_mem>> -> memref<1x!tpu.dma_semaphore, #tpu.memory_space<semaphore_mem>>
            %dma_start3A_436 = tpu.memref_squeeze %dma_start3A_435 : memref<1x!tpu.dma_semaphore, #tpu.memory_space<semaphore_mem>> -> memref<!tpu.dma_semaphore, #tpu.memory_space<semaphore_mem>>
            %dma_start3A_437 = arith.constant 0 : i32
            %dma_start3A_438 = arith.constant 0 : i32
            %dma_start3A_439 = tpu.memref_slice %run_scoped3A[%rem3A_424, %dma_start3A_437, %dma_start3A_438] : memref<2x128x128xf32, #tpu.memory_space<vmem>> -> memref<1x128x128xf32, #tpu.memory_space<vmem>>
            %dma_start3A_440 = tpu.memref_squeeze %dma_start3A_439 : memref<1x128x128xf32, #tpu.memory_space<vmem>> -> memref<128x128xf32, #tpu.memory_space<vmem>>
            %dma_start3A_441 = arith.constant 0 : i32
            %dma_start3A_442 = tpu.memref_slice %arg2[%mul3A_428, %dma_start3A_441] : memref<320000x128xf32, #tpu.memory_space<hbm>> -> memref<128x128xf32, #tpu.memory_space<hbm>>
            tpu.enqueue_dma source(%dma_start3A_442 : memref<128x128xf32, #tpu.memory_space<hbm>>) target(%dma_start3A_440 : memref<128x128xf32, #tpu.memory_space<vmem>>) target_semaphore(%dma_start3A_436 : memref<!tpu.dma_semaphore, #tpu.memory_space<semaphore_mem>>)
            "tpu.trace_stop"() : () -> ()
          } else {
          }
          %and3A_265 = arith.constant true
          %and3A_266 = arith.andi %and3A, %and3A_265 : i1
          %add3A_267 = arith.constant 1 : i32
          %add3A_268 = arith.addi %while3A_211, %add3A_267 : i32
          %select_n3A_269 = arith.select %and3A_266, %add3A_268, %while3A_211 : i32
          %add3A_270 = arith.constant 1536 : i32
          %add3A_271 = arith.addi %add3A_223, %add3A_270 : i32
          %add3A_272 = arith.constant 1536 : i32
          %add3A_273 = arith.addi %add3A_241, %add3A_272 : i32
          %ne3A_274 = arith.cmpi ne, %add3A_271, %add3A_273 : i32
          %or3A_275 = arith.constant false
          %or3A_276 = arith.ori %or3A_275, %ne3A_274 : i1
          %or3A_277 = arith.constant false
          %or3A_278 = arith.ori %or3A_276, %or3A_277 : i1
          %sub3A_279 = arith.constant 2 : i32
          %sub3A_280 = arith.subi %mul3A_217, %sub3A_279 : i32
          %add3A_281 = arith.constant 1 : i32
          %add3A_282 = arith.addi %sub3A_280, %add3A_281 : i32
          %ge3A_283 = arith.cmpi sge, %while3A_210, %add3A_282 : i32
          %not3A_284 = arith.constant true
          %not3A_285 = arith.xori %ge3A_283, %not3A_284 : i1
          %and3A_286 = arith.andi %or3A_278, %not3A_285 : i1
          %convert_element_type3A_287 = arith.extui %and3A_286 : i1 to i32
          %cond3A_288 = arith.constant 0 : i32
          %cond3A_289 = arith.cmpi ne, %convert_element_type3A_287, %cond3A_288 : i32
          scf.if %cond3A_289 {
            "tpu.trace_start"() <{level = 10 : i32, message = "ep_copy_in"}> : () -> ()
            %rem3A_423 = arith.constant 2 : i32
            %rem3A_424 = arith.remui %while3A_213, %rem3A_423 : i32
            %add3A_425 = arith.constant 1536 : i32
            %add3A_426 = arith.addi %add3A_241, %add3A_425 : i32
            %mul3A_427 = arith.constant 1 : i32
            %mul3A_428 = arith.muli %mul3A_427, %add3A_426 : i32
            %dma_start3A_429 = arith.constant 0 : i32
            %dma_start3A_430 = arith.constant 0 : i32
            %dma_start3A_431 = tpu.memref_slice %run_scoped3A_56[%rem3A_424, %dma_start3A_429, %dma_start3A_430] : memref<2x1x128xi32, #tpu.memory_space<vmem>> -> memref<1x1x128xi32, #tpu.memory_space<vmem>>
            %dma_start3A_432 = tpu.memref_squeeze %dma_start3A_431 : memref<1x1x128xi32, #tpu.memory_space<vmem>> -> memref<1x128xi32, #tpu.memory_space<vmem>>
            %dma_start3A_433 = arith.constant 0 : i32
            %dma_start3A_434 = tpu.memref_slice %arg3[%mul3A_428, %dma_start3A_433] : memref<2500x128xi32, #tpu.memory_space<hbm>> -> memref<1x128xi32, #tpu.memory_space<hbm>>
            %dma_start3A_435 = tpu.memref_slice %run_scoped3A_57[%rem3A_424] : memref<2x!tpu.dma_semaphore, #tpu.memory_space<semaphore_mem>> -> memref<1x!tpu.dma_semaphore, #tpu.memory_space<semaphore_mem>>
            %dma_start3A_436 = tpu.memref_squeeze %dma_start3A_435 : memref<1x!tpu.dma_semaphore, #tpu.memory_space<semaphore_mem>> -> memref<!tpu.dma_semaphore, #tpu.memory_space<semaphore_mem>>
            %dma_start3A_437 = arith.constant 0 : i32
            %dma_start3A_438 = arith.constant 0 : i32
            %dma_start3A_439 = tpu.memref_slice %run_scoped3A_56[%rem3A_424, %dma_start3A_437, %dma_start3A_438] : memref<2x1x128xi32, #tpu.memory_space<vmem>> -> memref<1x1x128xi32, #tpu.memory_space<vmem>>
            %dma_start3A_440 = tpu.memref_squeeze %dma_start3A_439 : memref<1x1x128xi32, #tpu.memory_space<vmem>> -> memref<1x128xi32, #tpu.memory_space<vmem>>
            %dma_start3A_441 = arith.constant 0 : i32
            %dma_start3A_442 = tpu.memref_slice %arg3[%mul3A_428, %dma_start3A_441] : memref<2500x128xi32, #tpu.memory_space<hbm>> -> memref<1x128xi32, #tpu.memory_space<hbm>>
            tpu.enqueue_dma source(%dma_start3A_442 : memref<1x128xi32, #tpu.memory_space<hbm>>) target(%dma_start3A_440 : memref<1x128xi32, #tpu.memory_space<vmem>>) target_semaphore(%dma_start3A_436 : memref<!tpu.dma_semaphore, #tpu.memory_space<semaphore_mem>>)
            "tpu.trace_stop"() : () -> ()
          } else {
          }
          %and3A_290 = arith.constant true
          %and3A_291 = arith.andi %and3A_286, %and3A_290 : i1
          %add3A_292 = arith.constant 1 : i32
          %add3A_293 = arith.addi %while3A_213, %add3A_292 : i32
          %select_n3A_294 = arith.select %and3A_291, %add3A_293, %while3A_213 : i32
          %add3A_295 = arith.constant 1536 : i32
          %add3A_296 = arith.addi %add3A_223, %add3A_295 : i32
          %add3A_297 = arith.constant 1536 : i32
          %add3A_298 = arith.addi %add3A_233, %add3A_297 : i32
          %ne3A_299 = arith.cmpi ne, %add3A_296, %add3A_298 : i32
          %or3A_300 = arith.constant false
          %or3A_301 = arith.ori %or3A_300, %ne3A_299 : i1
          %or3A_302 = arith.constant false
          %or3A_303 = arith.ori %or3A_301, %or3A_302 : i1
          %or3A_304 = arith.ori %or3A_303, %eq3A_219 : i1
          %convert_element_type3A_305 = arith.extui %or3A_304 : i1 to i32
          %cond3A_306 = arith.constant 0 : i32
          %cond3A_307 = arith.cmpi ne, %convert_element_type3A_305, %cond3A_306 : i32
          scf.if %cond3A_307 {
            "tpu.trace_start"() <{level = 10 : i32, message = "ep_wait_in"}> : () -> ()
            %add3A_423 = arith.constant 1536 : i32
            %add3A_424 = arith.addi %add3A_223, %add3A_423 : i32
            %mul3A_425 = arith.constant 128 : i32
            %mul3A_426 = arith.muli %mul3A_425, %add3A_424 : i32
            %rem3A_427 = arith.constant 2 : i32
            %rem3A_428 = arith.remui %while3A_212, %rem3A_427 : i32
            %dma_wait3A = arith.constant 0 : i32
            %dma_wait3A_429 = arith.constant 0 : i32
            %dma_wait3A_430 = tpu.memref_slice %run_scoped3A[%rem3A_428, %dma_wait3A, %dma_wait3A_429] : memref<2x128x128xf32, #tpu.memory_space<vmem>> -> memref<1x128x128xf32, #tpu.memory_space<vmem>>
            %dma_wait3A_431 = tpu.memref_squeeze %dma_wait3A_430 : memref<1x128x128xf32, #tpu.memory_space<vmem>> -> memref<128x128xf32, #tpu.memory_space<vmem>>
            %dma_wait3A_432 = arith.constant 0 : i32
            %dma_wait3A_433 = tpu.memref_slice %arg2[%mul3A_426, %dma_wait3A_432] : memref<320000x128xf32, #tpu.memory_space<hbm>> -> memref<128x128xf32, #tpu.memory_space<hbm>>
            %dma_wait3A_434 = tpu.memref_slice %run_scoped3A_55[%rem3A_428] : memref<2x!tpu.dma_semaphore, #tpu.memory_space<semaphore_mem>> -> memref<1x!tpu.dma_semaphore, #tpu.memory_space<semaphore_mem>>
            %dma_wait3A_435 = tpu.memref_squeeze %dma_wait3A_434 : memref<1x!tpu.dma_semaphore, #tpu.memory_space<semaphore_mem>> -> memref<!tpu.dma_semaphore, #tpu.memory_space<semaphore_mem>>
            %dma_wait3A_436 = arith.constant 0 : i32
            %dma_wait3A_437 = arith.constant 0 : i32
            %dma_wait3A_438 = tpu.memref_slice %run_scoped3A[%rem3A_428, %dma_wait3A_436, %dma_wait3A_437] : memref<2x128x128xf32, #tpu.memory_space<vmem>> -> memref<1x128x128xf32, #tpu.memory_space<vmem>>
            %dma_wait3A_439 = tpu.memref_squeeze %dma_wait3A_438 : memref<1x128x128xf32, #tpu.memory_space<vmem>> -> memref<128x128xf32, #tpu.memory_space<vmem>>
            %dma_wait3A_440 = arith.constant 0 : i32
            %dma_wait3A_441 = tpu.memref_slice %arg2[%mul3A_426, %dma_wait3A_440] : memref<320000x128xf32, #tpu.memory_space<hbm>> -> memref<128x128xf32, #tpu.memory_space<hbm>>
            tpu.wait_dma2 semaphore(%dma_wait3A_435 : memref<!tpu.dma_semaphore, #tpu.memory_space<semaphore_mem>>) src(%dma_wait3A_441 : memref<128x128xf32, #tpu.memory_space<hbm>>) dst(%dma_wait3A_439 : memref<128x128xf32, #tpu.memory_space<vmem>>)
            "tpu.trace_stop"() : () -> ()
          } else {
          }
          %add3A_308 = arith.constant 1536 : i32
          %add3A_309 = arith.addi %add3A_223, %add3A_308 : i32
          %add3A_310 = arith.constant 1536 : i32
          %add3A_311 = arith.addi %add3A_233, %add3A_310 : i32
          %ne3A_312 = arith.cmpi ne, %add3A_309, %add3A_311 : i32
          %or3A_313 = arith.constant false
          %or3A_314 = arith.ori %or3A_313, %ne3A_312 : i1
          %or3A_315 = arith.constant false
          %or3A_316 = arith.ori %or3A_314, %or3A_315 : i1
          %or3A_317 = arith.ori %or3A_316, %eq3A_219 : i1
          %convert_element_type3A_318 = arith.extui %or3A_317 : i1 to i32
          %cond3A_319 = arith.constant 0 : i32
          %cond3A_320 = arith.cmpi ne, %convert_element_type3A_318, %cond3A_319 : i32
          scf.if %cond3A_320 {
            "tpu.trace_start"() <{level = 10 : i32, message = "ep_wait_in"}> : () -> ()
            %add3A_423 = arith.constant 1536 : i32
            %add3A_424 = arith.addi %add3A_223, %add3A_423 : i32
            %mul3A_425 = arith.constant 1 : i32
            %mul3A_426 = arith.muli %mul3A_425, %add3A_424 : i32
            %rem3A_427 = arith.constant 2 : i32
            %rem3A_428 = arith.remui %while3A_214, %rem3A_427 : i32
            %dma_wait3A = arith.constant 0 : i32
            %dma_wait3A_429 = arith.constant 0 : i32
            %dma_wait3A_430 = tpu.memref_slice %run_scoped3A_56[%rem3A_428, %dma_wait3A, %dma_wait3A_429] : memref<2x1x128xi32, #tpu.memory_space<vmem>> -> memref<1x1x128xi32, #tpu.memory_space<vmem>>
            %dma_wait3A_431 = tpu.memref_squeeze %dma_wait3A_430 : memref<1x1x128xi32, #tpu.memory_space<vmem>> -> memref<1x128xi32, #tpu.memory_space<vmem>>
            %dma_wait3A_432 = arith.constant 0 : i32
            %dma_wait3A_433 = tpu.memref_slice %arg3[%mul3A_426, %dma_wait3A_432] : memref<2500x128xi32, #tpu.memory_space<hbm>> -> memref<1x128xi32, #tpu.memory_space<hbm>>
            %dma_wait3A_434 = tpu.memref_slice %run_scoped3A_57[%rem3A_428] : memref<2x!tpu.dma_semaphore, #tpu.memory_space<semaphore_mem>> -> memref<1x!tpu.dma_semaphore, #tpu.memory_space<semaphore_mem>>
            %dma_wait3A_435 = tpu.memref_squeeze %dma_wait3A_434 : memref<1x!tpu.dma_semaphore, #tpu.memory_space<semaphore_mem>> -> memref<!tpu.dma_semaphore, #tpu.memory_space<semaphore_mem>>
            %dma_wait3A_436 = arith.constant 0 : i32
            %dma_wait3A_437 = arith.constant 0 : i32
            %dma_wait3A_438 = tpu.memref_slice %run_scoped3A_56[%rem3A_428, %dma_wait3A_436, %dma_wait3A_437] : memref<2x1x128xi32, #tpu.memory_space<vmem>> -> memref<1x1x128xi32, #tpu.memory_space<vmem>>
            %dma_wait3A_439 = tpu.memref_squeeze %dma_wait3A_438 : memref<1x1x128xi32, #tpu.memory_space<vmem>> -> memref<1x128xi32, #tpu.memory_space<vmem>>
            %dma_wait3A_440 = arith.constant 0 : i32
            %dma_wait3A_441 = tpu.memref_slice %arg3[%mul3A_426, %dma_wait3A_440] : memref<2500x128xi32, #tpu.memory_space<hbm>> -> memref<1x128xi32, #tpu.memory_space<hbm>>
            tpu.wait_dma2 semaphore(%dma_wait3A_435 : memref<!tpu.dma_semaphore, #tpu.memory_space<semaphore_mem>>) src(%dma_wait3A_441 : memref<1x128xi32, #tpu.memory_space<hbm>>) dst(%dma_wait3A_439 : memref<1x128xi32, #tpu.memory_space<vmem>>)
            "tpu.trace_stop"() : () -> ()
          } else {
          }
          %rem3A_321 = arith.constant 2 : i32
          %rem3A_322 = arith.remui %while3A_212, %rem3A_321 : i32
          %rem3A_323 = arith.constant 2 : i32
          %rem3A_324 = arith.remui %while3A_214, %rem3A_323 : i32
          %run_scoped3A_325 = arith.constant 0 : i32
          "tpu.trace_start"() <{level = 10 : i32, message = "ep_run_kernel"}> : () -> ()
          "tpu.region"() ({
            %run_scoped3A_423 = tpu.sem_alloc : memref<!tpu.dma_semaphore, #tpu.memory_space<semaphore_mem>>
            %dma_start3A_424 = arith.constant 0 : i32
            %dma_start3A_425 = arith.constant 0 : i32
            %dma_start3A_426 = tpu.memref_slice %run_scoped3A[%rem3A_322, %dma_start3A_424, %dma_start3A_425] : memref<2x128x128xf32, #tpu.memory_space<vmem>> -> memref<1x128x128xf32, #tpu.memory_space<vmem>>
            %dma_start3A_427 = tpu.memref_squeeze %dma_start3A_426 : memref<1x128x128xf32, #tpu.memory_space<vmem>> -> memref<128x128xf32, #tpu.memory_space<vmem>>
            %dma_start3A_428 = arith.constant 0 : i32
            %dma_start3A_429 = arith.constant 0 : i32
            %dma_start3A_430 = tpu.memref_slice %run_scoped3A_56[%rem3A_324, %dma_start3A_428, %dma_start3A_429] : memref<2x1x128xi32, #tpu.memory_space<vmem>> -> memref<1x1x128xi32, #tpu.memory_space<vmem>>
            %dma_start3A_431 = tpu.memref_squeeze %dma_start3A_430 : memref<1x1x128xi32, #tpu.memory_space<vmem>> -> memref<1x128xi32, #tpu.memory_space<vmem>>
            %dma_start3A_432 = arith.constant 0 : i32
            %dma_start3A_433 = tpu.memref_slice %dma_start3A_431[%run_scoped3A_325, %dma_start3A_432] : memref<1x128xi32, #tpu.memory_space<vmem>> -> memref<1x128xi32, #tpu.memory_space<vmem>>
            %dma_start3A_434 = tpu.memref_squeeze %dma_start3A_433 : memref<1x128xi32, #tpu.memory_space<vmem>> -> memref<128xi32, #tpu.memory_space<vmem>>
            %dma_start3A_435 = arith.constant 0 : i32
            %dma_start3A_436 = arith.constant 0 : i32
            %dma_start3A_437 = tpu.memref_slice %arg5[%dma_start3A_435, %dma_start3A_436] : memref<10000x128xf32, #tpu.memory_space<vmem_shared>> -> memref<10000x128xf32, #tpu.memory_space<vmem_shared>>
            tpu.enqueue_indirect_dma source(%dma_start3A_427 : memref<128x128xf32, #tpu.memory_space<vmem>>) target(%dma_start3A_437 : memref<10000x128xf32, #tpu.memory_space<vmem_shared>>) offsets(%dma_start3A_434 : memref<128xi32, #tpu.memory_space<vmem>>) semaphore(%run_scoped3A_423 : memref<!tpu.dma_semaphore, #tpu.memory_space<semaphore_mem>>) {add = true}
            %dma_wait3A = arith.constant 0 : i32
            %dma_wait3A_438 = arith.constant 0 : i32
            %dma_wait3A_439 = tpu.memref_slice %run_scoped3A[%rem3A_322, %dma_wait3A, %dma_wait3A_438] : memref<2x128x128xf32, #tpu.memory_space<vmem>> -> memref<1x128x128xf32, #tpu.memory_space<vmem>>
            %dma_wait3A_440 = tpu.memref_squeeze %dma_wait3A_439 : memref<1x128x128xf32, #tpu.memory_space<vmem>> -> memref<128x128xf32, #tpu.memory_space<vmem>>
            %dma_wait3A_441 = arith.constant 0 : i32
            %dma_wait3A_442 = arith.constant 0 : i32
            %dma_wait3A_443 = tpu.memref_slice %run_scoped3A_56[%rem3A_324, %dma_wait3A_441, %dma_wait3A_442] : memref<2x1x128xi32, #tpu.memory_space<vmem>> -> memref<1x1x128xi32, #tpu.memory_space<vmem>>
            %dma_wait3A_444 = tpu.memref_squeeze %dma_wait3A_443 : memref<1x1x128xi32, #tpu.memory_space<vmem>> -> memref<1x128xi32, #tpu.memory_space<vmem>>
            %dma_wait3A_445 = arith.constant 0 : i32
            %dma_wait3A_446 = tpu.memref_slice %dma_wait3A_444[%run_scoped3A_325, %dma_wait3A_445] : memref<1x128xi32, #tpu.memory_space<vmem>> -> memref<1x128xi32, #tpu.memory_space<vmem>>
            %dma_wait3A_447 = tpu.memref_squeeze %dma_wait3A_446 : memref<1x128xi32, #tpu.memory_space<vmem>> -> memref<128xi32, #tpu.memory_space<vmem>>
            %dma_wait3A_448 = arith.constant 0 : i32
            %dma_wait3A_449 = arith.constant 0 : i32
            %dma_wait3A_450 = tpu.memref_slice %arg5[%dma_wait3A_448, %dma_wait3A_449] : memref<10000x128xf32, #tpu.memory_space<vmem_shared>> -> memref<10000x128xf32, #tpu.memory_space<vmem_shared>>
            tpu.wait_indirect_dma semaphore(%run_scoped3A_423 : memref<!tpu.dma_semaphore, #tpu.memory_space<semaphore_mem>>) src(%dma_wait3A_440 : memref<128x128xf32, #tpu.memory_space<vmem>>) dst(%dma_wait3A_450 : memref<10000x128xf32, #tpu.memory_space<vmem_shared>>)
            tpu.yield
          }) : () -> ()
          "tpu.trace_stop"() : () -> ()
          %add3A_326 = arith.constant 1536 : i32
          %add3A_327 = arith.addi %add3A_223, %add3A_326 : i32
          %add3A_328 = arith.constant 1536 : i32
          %add3A_329 = arith.addi %add3A_241, %add3A_328 : i32
          %ne3A_330 = arith.cmpi ne, %add3A_327, %add3A_329 : i32
          %or3A_331 = arith.constant false
          %or3A_332 = arith.ori %or3A_331, %ne3A_330 : i1
          %or3A_333 = arith.constant false
          %or3A_334 = arith.ori %or3A_332, %or3A_333 : i1
          %or3A_335 = arith.ori %or3A_334, %eq3A_222 : i1
          %convert_element_type3A_336 = arith.extui %or3A_335 : i1 to i32
          %cond3A_337 = arith.constant 0 : i32
          %cond3A_338 = arith.cmpi ne, %convert_element_type3A_336, %cond3A_337 : i32
          scf.if %cond3A_338 {
          } else {
          }
          %and3A_339 = arith.constant false
          %and3A_340 = arith.andi %or3A_335, %and3A_339 : i1
          %add3A_341 = arith.constant 1536 : i32
          %add3A_342 = arith.addi %add3A_223, %add3A_341 : i32
          %add3A_343 = arith.constant 1536 : i32
          %add3A_344 = arith.addi %add3A_241, %add3A_343 : i32
          %ne3A_345 = arith.cmpi ne, %add3A_342, %add3A_344 : i32
          %or3A_346 = arith.constant false
          %or3A_347 = arith.ori %or3A_346, %ne3A_345 : i1
          %or3A_348 = arith.constant false
          %or3A_349 = arith.ori %or3A_347, %or3A_348 : i1
          %or3A_350 = arith.ori %or3A_349, %eq3A_222 : i1
          %convert_element_type3A_351 = arith.extui %or3A_350 : i1 to i32
          %cond3A_352 = arith.constant 0 : i32
          %cond3A_353 = arith.cmpi ne, %convert_element_type3A_351, %cond3A_352 : i32
          scf.if %cond3A_353 {
          } else {
          }
          %and3A_354 = arith.constant false
          %and3A_355 = arith.andi %or3A_350, %and3A_354 : i1
          %add3A_356 = arith.constant 1536 : i32
          %add3A_357 = arith.addi %add3A_223, %add3A_356 : i32
          %add3A_358 = arith.constant 1536 : i32
          %add3A_359 = arith.addi %add3A_233, %add3A_358 : i32
          %ne3A_360 = arith.cmpi ne, %add3A_357, %add3A_359 : i32
          %or3A_361 = arith.constant false
          %or3A_362 = arith.ori %or3A_361, %ne3A_360 : i1
          %or3A_363 = arith.constant false
          %or3A_364 = arith.ori %or3A_362, %or3A_363 : i1
          %not3A_365 = arith.constant true
          %not3A_366 = arith.xori %eq3A_219, %not3A_365 : i1
          %and3A_367 = arith.andi %or3A_364, %not3A_366 : i1
          %convert_element_type3A_368 = arith.extui %and3A_367 : i1 to i32
          %cond3A_369 = arith.constant 0 : i32
          %cond3A_370 = arith.cmpi ne, %convert_element_type3A_368, %cond3A_369 : i32
          scf.if %cond3A_370 {
          } else {
          }
          %and3A_371 = arith.constant false
          %and3A_372 = arith.andi %and3A_367, %and3A_371 : i1
          %add3A_373 = arith.constant 1536 : i32
          %add3A_374 = arith.addi %add3A_223, %add3A_373 : i32
          %add3A_375 = arith.constant 1536 : i32
          %add3A_376 = arith.addi %add3A_233, %add3A_375 : i32
          %ne3A_377 = arith.cmpi ne, %add3A_374, %add3A_376 : i32
          %or3A_378 = arith.constant false
          %or3A_379 = arith.ori %or3A_378, %ne3A_377 : i1
          %or3A_380 = arith.constant false
          %or3A_381 = arith.ori %or3A_379, %or3A_380 : i1
          %not3A_382 = arith.constant true
          %not3A_383 = arith.xori %eq3A_219, %not3A_382 : i1
          %and3A_384 = arith.andi %or3A_381, %not3A_383 : i1
          %convert_element_type3A_385 = arith.extui %and3A_384 : i1 to i32
          %cond3A_386 = arith.constant 0 : i32
          %cond3A_387 = arith.cmpi ne, %convert_element_type3A_385, %cond3A_386 : i32
          scf.if %cond3A_387 {
          } else {
          }
          %and3A_388 = arith.constant false
          %and3A_389 = arith.andi %and3A_384, %and3A_388 : i1
          %add3A_390 = arith.constant 1536 : i32
          %add3A_391 = arith.addi %add3A_223, %add3A_390 : i32
          %add3A_392 = arith.constant 1536 : i32
          %add3A_393 = arith.addi %add3A_241, %add3A_392 : i32
          %ne3A_394 = arith.cmpi ne, %add3A_391, %add3A_393 : i32
          %or3A_395 = arith.constant false
          %or3A_396 = arith.ori %or3A_395, %ne3A_394 : i1
          %or3A_397 = arith.constant false
          %or3A_398 = arith.ori %or3A_396, %or3A_397 : i1
          %or3A_399 = arith.ori %or3A_398, %eq3A_222 : i1
          %add3A_400 = arith.constant 1 : i32
          %add3A_401 = arith.addi %while3A_212, %add3A_400 : i32
          %select_n3A_402 = arith.select %or3A_399, %add3A_401, %while3A_212 : i32
          %add3A_403 = arith.constant 1536 : i32
          %add3A_404 = arith.addi %add3A_223, %add3A_403 : i32
          %add3A_405 = arith.constant 1536 : i32
          %add3A_406 = arith.addi %add3A_241, %add3A_405 : i32
          %ne3A_407 = arith.cmpi ne, %add3A_404, %add3A_406 : i32
          %or3A_408 = arith.constant false
          %or3A_409 = arith.ori %or3A_408, %ne3A_407 : i1
          %or3A_410 = arith.constant false
          %or3A_411 = arith.ori %or3A_409, %or3A_410 : i1
          %or3A_412 = arith.ori %or3A_411, %eq3A_222 : i1
          %add3A_413 = arith.constant 1 : i32
          %add3A_414 = arith.addi %while3A_214, %add3A_413 : i32
          %select_n3A_415 = arith.select %or3A_412, %add3A_414, %while3A_214 : i32
          %add3A_416 = arith.constant 1 : i32
          %add3A_417 = arith.addi %while3A_215, %add3A_416 : i32
          %select_n3A_418 = arith.constant true
          %select_n3A_419 = arith.select %select_n3A_418, %add3A_417, %while3A_215 : i32
          %eq3A_420 = arith.cmpi eq, %select_n3A_419, %select_n3A : i32
          %select_n3A_421 = arith.constant 0 : i32
          %select_n3A_422 = arith.select %eq3A_420, %select_n3A_421, %select_n3A_419 : i32
          scf.yield %select_n3A_269, %select_n3A_402, %select_n3A_294, %select_n3A_415, %select_n3A_422 : i32, i32, i32, i32, i32
        }
        %sub3A_159 = arith.constant 1 : i32
        %sub3A_160 = arith.subi %while3A_158#4, %sub3A_159 : i32
        %select_n3A_161 = arith.constant true
        %select_n3A_162 = arith.select %select_n3A_161, %sub3A_160, %while3A_158#4 : i32
        %eq3A_163 = arith.constant -1 : i32
        %eq3A_164 = arith.cmpi eq, %select_n3A_162, %eq3A_163 : i32
        %sub3A_165 = arith.constant 1 : i32
        %sub3A_166 = arith.subi %select_n3A, %sub3A_165 : i32
        %select_n3A_167 = arith.select %eq3A_164, %sub3A_166, %select_n3A_162 : i32
        %sub3A_168 = arith.constant 1 : i32
        %sub3A_169 = arith.subi %mul3A_35, %sub3A_168 : i32
        %mul3A_170 = arith.constant 1 : i32
        %mul3A_171 = arith.muli %mul3A_170, %select_n3A : i32
        %eq3A_172 = arith.constant 0 : i32
        %eq3A_173 = arith.cmpi eq, %sub3A_169, %eq3A_172 : i32
        %sub3A_174 = arith.constant 1 : i32
        %sub3A_175 = arith.subi %mul3A_171, %sub3A_174 : i32
        %eq3A_176 = arith.cmpi eq, %sub3A_169, %sub3A_175 : i32
        %add3A_177 = arith.addi %select_n3A_167, %select_n3A_33 : i32
        %sub3A_178 = arith.constant 1 : i32
        %sub3A_179 = arith.subi %select_n3A_167, %sub3A_178 : i32
        %select_n3A_180 = arith.constant true
        %select_n3A_181 = arith.select %select_n3A_180, %sub3A_179, %select_n3A_167 : i32
        %eq3A_182 = arith.constant -1 : i32
        %eq3A_183 = arith.cmpi eq, %select_n3A_181, %eq3A_182 : i32
        %sub3A_184 = arith.constant 1 : i32
        %sub3A_185 = arith.subi %select_n3A, %sub3A_184 : i32
        %select_n3A_186 = arith.select %eq3A_183, %sub3A_185, %select_n3A_181 : i32
        %add3A_187 = arith.addi %select_n3A_186, %select_n3A_33 : i32
        %add3A_188 = arith.constant 1 : i32
        %add3A_189 = arith.addi %select_n3A_167, %add3A_188 : i32
        %select_n3A_190 = arith.constant true
        %select_n3A_191 = arith.select %select_n3A_190, %add3A_189, %select_n3A_167 : i32
        %eq3A_192 = arith.cmpi eq, %select_n3A_191, %select_n3A : i32
        %select_n3A_193 = arith.constant 0 : i32
        %select_n3A_194 = arith.select %eq3A_192, %select_n3A_193, %select_n3A_191 : i32
        %add3A_195 = arith.addi %select_n3A_194, %select_n3A_33 : i32
        %add3A_196 = arith.constant 1 : i32
        %add3A_197 = arith.addi %select_n3A_194, %add3A_196 : i32
        %select_n3A_198 = arith.constant true
        %select_n3A_199 = arith.select %select_n3A_198, %add3A_197, %select_n3A_194 : i32
        %eq3A_200 = arith.cmpi eq, %select_n3A_199, %select_n3A : i32
        %select_n3A_201 = arith.constant 0 : i32
        %select_n3A_202 = arith.select %eq3A_200, %select_n3A_201, %select_n3A_199 : i32
        %add3A_203 = arith.addi %select_n3A_202, %select_n3A_33 : i32
        %convert_element_type3A_204 = arith.extui %eq3A_176 : i1 to i32
        %cond3A_205 = arith.constant 0 : i32
        %cond3A_206 = arith.cmpi ne, %convert_element_type3A_204, %cond3A_205 : i32
        scf.if %cond3A_206 {
        } else {
        }
        %convert_element_type3A_207 = arith.extui %eq3A_176 : i1 to i32
        %cond3A_208 = arith.constant 0 : i32
        %cond3A_209 = arith.cmpi ne, %convert_element_type3A_207, %cond3A_208 : i32
        scf.if %cond3A_209 {
        } else {
        }
      } else {
      }
      tpu.yield
    }) : () -> ()
    %barrier3A_36 = arith.constant 0 : index
    tpu.barrier barrier_id(%barrier3A_36)
    %sub3A_37 = arith.constant 125 : i32
    %sub3A_38 = arith.subi %sub3A_37, %arg1 : i32
    %sub3A_39 = arith.constant 16 : i32
    %sub3A_40 = arith.constant 1 : i32
    %sub3A_41 = arith.subi %sub3A_39, %sub3A_40 : i32
    %add3A_42 = arith.addi %sub3A_38, %sub3A_41 : i32
    %div3A_43 = arith.constant 16 : i32
    %div3A_44 = arith.divsi %add3A_42, %div3A_43 : i32
    %while3A_45 = arith.constant 16 : i32
    %while3A_46 = arith.constant 0 : i32
    %while3A_47 = arith.subi %div3A_44, %while3A_46 : i32
    %while3A_48 = arith.addi %while3A_46, %while3A_47 : i32
    %while3A_49 = arith.constant 1 : i32
    %while3A_50 = arith.divsi %while3A_47, %while3A_49 : i32
    %while3A_51 = arith.muli %while3A_50, %while3A_49 : i32
    %while3A_52 = arith.addi %while3A_46, %while3A_51 : i32
    %while3A_53 = arith.constant 1 : i32
    scf.for %while3A_55 = %while3A_46 to %while3A_52 step %while3A_53  : i32 {
      %mul3A_56 = arith.muli %while3A_55, %while3A_45 : i32
      %add3A_57 = arith.addi %arg1, %mul3A_56 : i32
      %mul3A_58 = arith.constant 80 : i32
      %mul3A_59 = arith.muli %add3A_57, %mul3A_58 : i32
      %mul3A_60 = arith.constant 80 : i32
      %mul3A_61 = arith.muli %add3A_57, %mul3A_60 : i32
      "tpu.region"() ({
        %run_scoped3A = tpu.sem_alloc : memref<!tpu.dma_semaphore, #tpu.memory_space<semaphore_mem>>
        %dma_start3A = arith.constant 0 : i32
        %dma_start3A_62 = tpu.memref_slice %arg4[%arg0, %mul3A_61, %dma_start3A] : memref<2x10000x128xf32, #tpu.memory_space<hbm>> -> memref<1x80x128xf32, #tpu.memory_space<hbm>>
        %dma_start3A_63 = tpu.memref_squeeze %dma_start3A_62 : memref<1x80x128xf32, #tpu.memory_space<hbm>> -> memref<80x128xf32, #tpu.memory_space<hbm>>
        %dma_start3A_64 = arith.constant 0 : i32
        %dma_start3A_65 = tpu.memref_slice %arg5[%mul3A_59, %dma_start3A_64] : memref<10000x128xf32, #tpu.memory_space<vmem_shared>> -> memref<80x128xf32, #tpu.memory_space<vmem_shared>>
        tpu.enqueue_dma source(%dma_start3A_65 : memref<80x128xf32, #tpu.memory_space<vmem_shared>>) target(%dma_start3A_63 : memref<80x128xf32, #tpu.memory_space<hbm>>) target_semaphore(%run_scoped3A : memref<!tpu.dma_semaphore, #tpu.memory_space<semaphore_mem>>)
        %dma_wait3A = arith.constant 0 : i32
        %dma_wait3A_66 = tpu.memref_slice %arg4[%arg0, %mul3A_61, %dma_wait3A] : memref<2x10000x128xf32, #tpu.memory_space<hbm>> -> memref<1x80x128xf32, #tpu.memory_space<hbm>>
        %dma_wait3A_67 = tpu.memref_squeeze %dma_wait3A_66 : memref<1x80x128xf32, #tpu.memory_space<hbm>> -> memref<80x128xf32, #tpu.memory_space<hbm>>
        %dma_wait3A_68 = arith.constant 0 : i32
        %dma_wait3A_69 = tpu.memref_slice %arg5[%mul3A_59, %dma_wait3A_68] : memref<10000x128xf32, #tpu.memory_space<vmem_shared>> -> memref<80x128xf32, #tpu.memory_space<vmem_shared>>
        tpu.wait_dma2 semaphore(%run_scoped3A : memref<!tpu.dma_semaphore, #tpu.memory_space<semaphore_mem>>) src(%dma_wait3A_69 : memref<80x128xf32, #tpu.memory_space<vmem_shared>>) dst(%dma_wait3A_67 : memref<80x128xf32, #tpu.memory_space<hbm>>)
        tpu.yield
      }) : () -> ()
    }
    %while3A_54 = arith.constant 1 : i32
    scf.for %while3A_55 = %while3A_52 to %while3A_48 step %while3A_54  : i32 {
      %mul3A_56 = arith.muli %while3A_55, %while3A_45 : i32
      %add3A_57 = arith.addi %arg1, %mul3A_56 : i32
      %mul3A_58 = arith.constant 80 : i32
      %mul3A_59 = arith.muli %add3A_57, %mul3A_58 : i32
      %mul3A_60 = arith.constant 80 : i32
      %mul3A_61 = arith.muli %add3A_57, %mul3A_60 : i32
      "tpu.region"() ({
        %run_scoped3A = tpu.sem_alloc : memref<!tpu.dma_semaphore, #tpu.memory_space<semaphore_mem>>
        %dma_start3A = arith.constant 0 : i32
        %dma_start3A_62 = tpu.memref_slice %arg4[%arg0, %mul3A_61, %dma_start3A] : memref<2x10000x128xf32, #tpu.memory_space<hbm>> -> memref<1x80x128xf32, #tpu.memory_space<hbm>>
        %dma_start3A_63 = tpu.memref_squeeze %dma_start3A_62 : memref<1x80x128xf32, #tpu.memory_space<hbm>> -> memref<80x128xf32, #tpu.memory_space<hbm>>
        %dma_start3A_64 = arith.constant 0 : i32
        %dma_start3A_65 = tpu.memref_slice %arg5[%mul3A_59, %dma_start3A_64] : memref<10000x128xf32, #tpu.memory_space<vmem_shared>> -> memref<80x128xf32, #tpu.memory_space<vmem_shared>>
        tpu.enqueue_dma source(%dma_start3A_65 : memref<80x128xf32, #tpu.memory_space<vmem_shared>>) target(%dma_start3A_63 : memref<80x128xf32, #tpu.memory_space<hbm>>) target_semaphore(%run_scoped3A : memref<!tpu.dma_semaphore, #tpu.memory_space<semaphore_mem>>)
        %dma_wait3A = arith.constant 0 : i32
        %dma_wait3A_66 = tpu.memref_slice %arg4[%arg0, %mul3A_61, %dma_wait3A] : memref<2x10000x128xf32, #tpu.memory_space<hbm>> -> memref<1x80x128xf32, #tpu.memory_space<hbm>>
        %dma_wait3A_67 = tpu.memref_squeeze %dma_wait3A_66 : memref<1x80x128xf32, #tpu.memory_space<hbm>> -> memref<80x128xf32, #tpu.memory_space<hbm>>
        %dma_wait3A_68 = arith.constant 0 : i32
        %dma_wait3A_69 = tpu.memref_slice %arg5[%mul3A_59, %dma_wait3A_68] : memref<10000x128xf32, #tpu.memory_space<vmem_shared>> -> memref<80x128xf32, #tpu.memory_space<vmem_shared>>
        tpu.wait_dma2 semaphore(%run_scoped3A : memref<!tpu.dma_semaphore, #tpu.memory_space<semaphore_mem>>) src(%dma_wait3A_69 : memref<80x128xf32, #tpu.memory_space<vmem_shared>>) dst(%dma_wait3A_67 : memref<80x128xf32, #tpu.memory_space<hbm>>)
        tpu.yield
      }) : () -> ()
    }
    return
  }
}

module attributes {stable_mosaic.version = 14 : i64} {
  func.func @add_body(%arg0: i32, %arg1: memref<2x1000x128xf32, #tpu.memory_space<vmem>>, %arg2: memref<1000x128xf32, #tpu.memory_space<vmem>>, %arg3: memref<1000x128xf32, #tpu.memory_space<vmem>>) attributes {dimension_semantics = [#tpu.dimension_semantics<arbitrary>], iteration_bounds = array<i64: 10>, scalar_prefetch = 0 : i64, scratch_operands = 0 : i64, tpu.core_type = #tpu.core_type<tc>, window_params = [{transform_indices = @transform_0, window_bounds = array<i64: 2, 1000, 128>}, {transform_indices = @transform_1, window_bounds = array<i64: 1000, 128>}, {transform_indices = @transform_2, window_bounds = array<i64: 1000, 128>}]} {
    %get3A = arith.constant 0 : index
    %get3A_0 = arith.constant 0 : index
    %get3A_1 = arith.constant 0 : index
    %get3A_2 = vector.load %arg1[%get3A, %get3A_0, %get3A_1] : memref<2x1000x128xf32, #tpu.memory_space<vmem>>, vector<1x1000x128xf32>
    %get3A_3 = vector.shape_cast %get3A_2 : vector<1x1000x128xf32> to vector<1000x128xf32>
    %get3A_4 = arith.constant 1 : index
    %get3A_5 = arith.constant 0 : index
    %get3A_6 = arith.constant 0 : index
    %get3A_7 = vector.load %arg1[%get3A_4, %get3A_5, %get3A_6] : memref<2x1000x128xf32, #tpu.memory_space<vmem>>, vector<1x1000x128xf32>
    %get3A_8 = vector.shape_cast %get3A_7 : vector<1x1000x128xf32> to vector<1000x128xf32>
    %add3A = arith.addf %get3A_3, %get3A_8 : vector<1000x128xf32>
    %get3A_9 = arith.constant 0 : index
    %get3A_10 = arith.constant 0 : index
    %get3A_11 = vector.load %arg2[%get3A_9, %get3A_10] : memref<1000x128xf32, #tpu.memory_space<vmem>>, vector<1000x128xf32>
    %add3A_12 = arith.addf %add3A, %get3A_11 : vector<1000x128xf32>
    %swap3A = arith.constant 0 : index
    %swap3A_13 = arith.constant 0 : index
    %swap3A_14 = vector.load %arg3[%swap3A, %swap3A_13] : memref<1000x128xf32, #tpu.memory_space<vmem>>, vector<1000x128xf32>
    tpu.vector_store %arg3[%swap3A, %swap3A_13], %add3A_12 {strides = array<i32>} : memref<1000x128xf32, #tpu.memory_space<vmem>>, vector<1000x128xf32>,
    return
  }
  func.func @transform_0(%arg0: i32) -> (i32, i32, i32) {
    %c0_i32 = arith.constant 0 : i32
    %c0_i32_0 = arith.constant 0 : i32
    %c0_i32_1 = arith.constant 0 : i32
    return %c0_i32, %arg0, %c0_i32_0 : i32, i32, i32
  }
  func.func @transform_1(%arg0: i32) -> (i32, i32) {
    %c0_i32 = arith.constant 0 : i32
    %c0_i32_0 = arith.constant 0 : i32
    return %arg0, %c0_i32 : i32, i32
  }
  func.func @transform_2(%arg0: i32) -> (i32, i32) {
    %c0_i32 = arith.constant 0 : i32
    %c0_i32_0 = arith.constant 0 : i32
    return %arg0, %c0_i32 : i32, i32
  }
}

module attributes {stable_mosaic.version = 14 : i64} {
  func.func @body(%arg0: i32, %arg1: memref<1x1x8192xi32, #tpu.memory_space<vmem>>, %arg2: memref<8192x128xf32, #tpu.memory_space<vmem>>, %arg3: memref<10000x128xf32, #tpu.memory_space<vmem>>, %arg4: memref<10176x128xf32, #tpu.memory_space<vmem>>) attributes {dimension_semantics = [#tpu.dimension_semantics<arbitrary>], iteration_bounds = array<i64: 24>, scalar_prefetch = 0 : i64, scratch_operands = 1 : i64, tpu.core_type = #tpu.core_type<tc>, window_params = [{transform_indices = @transform_0, window_bounds = array<i64: 1, 1, 8192>}, {transform_indices = @transform_1, window_bounds = array<i64: 8192, 128>}, {pipeline_mode = #tpu.pipeline_mode<synchronous>, transform_indices = @transform_2, window_bounds = array<i64: 10000, 128>}]} {
    %eq3A = arith.constant 0 : i32
    %eq3A_0 = arith.cmpi eq, %arg0, %eq3A : i32
    %convert_element_type3A = arith.extui %eq3A_0 : i1 to i32
    %cond3A = arith.constant 0 : i32
    %cond3A_1 = arith.cmpi ne, %convert_element_type3A, %cond3A : i32
    scf.if %cond3A_1 {
      %broadcast_in_dim3A_141 = arith.constant 0.000000e+00 : f32
      %broadcast_in_dim3A_142 = vector.broadcast %broadcast_in_dim3A_141 : f32 to vector<10176x128xf32>
      %swap3A = arith.constant 0 : index
      %swap3A_143 = arith.constant 0 : index
      %swap3A_144 = vector.load %arg4[%swap3A, %swap3A_143] : memref<10176x128xf32, #tpu.memory_space<vmem>>, vector<10176x128xf32>
      tpu.vector_store %arg4[%swap3A, %swap3A_143], %broadcast_in_dim3A_142 {strides = array<i32>} : memref<10176x128xf32, #tpu.memory_space<vmem>>, vector<10176x128xf32>,
    } else {
    }
    %get3A = arith.constant 0 : index
    %get3A_2 = arith.constant 0 : index
    %get3A_3 = arith.constant 0 : index
    %get3A_4 = vector.load %arg1[%get3A, %get3A_2, %get3A_3] : memref<1x1x8192xi32, #tpu.memory_space<vmem>>, vector<1x1x8192xi32>
    %get3A_5 = vector.shape_cast %get3A_4 : vector<1x1x8192xi32> to vector<1x8192xi32>
    %get3A_6 = arith.constant 0 : index
    %get3A_7 = arith.constant 0 : index
    %get3A_8 = vector.load %arg2[%get3A_6, %get3A_7] : memref<8192x128xf32, #tpu.memory_space<vmem>>, vector<8192x128xf32>
    %slice3A = vector.extract_strided_slice %get3A_5 {offsets = [0, 0], sizes = [1, 2048], strides = [1, 1]} : vector<1x8192xi32> to vector<1x2048xi32>
    %slice3A_9 = vector.extract_strided_slice %get3A_8 {offsets = [0, 0], sizes = [2048, 128], strides = [1, 1]} : vector<8192x128xf32> to vector<2048x128xf32>
    %slice3A_10 = vector.extract_strided_slice %slice3A {offsets = [0, 2047], sizes = [1, 1], strides = [1, 1]} : vector<1x2048xi32> to vector<1x1xi32>
    %squeeze3A = vector.extract %slice3A_10[0, 0] : i32 from vector<1x1xi32>
    %broadcast_in_dim3A = vector.shape_cast %slice3A : vector<1x2048xi32> to vector<1x2048xi32>
    %broadcast_in_dim3A_11 = vector.broadcast %broadcast_in_dim3A : vector<1x2048xi32> to vector<128x2048xi32>
    %slice3A_12 = vector.extract_strided_slice %slice3A {offsets = [0, 0], sizes = [1, 1], strides = [1, 1]} : vector<1x2048xi32> to vector<1x1xi32>
    %squeeze3A_13 = vector.extract %slice3A_12[0, 0] : i32 from vector<1x1xi32>
    %jit3A = arith.constant 8 : i32
    %div3A = arith.divsi %squeeze3A_13, %jit3A : i32
    %sign3A = arith.constant 0 : i32
    %sign3A_14 = arith.cmpi sgt, %squeeze3A_13, %sign3A : i32
    %sign3A_15 = arith.extui %sign3A_14 : i1 to i32
    %sign3A_16 = arith.constant 0 : i32
    %sign3A_17 = arith.cmpi slt, %squeeze3A_13, %sign3A_16 : i32
    %sign3A_18 = arith.extui %sign3A_17 : i1 to i32
    %sign3A_19 = arith.subi %sign3A_15, %sign3A_18 : i32
    %sign3A_20 = arith.constant 0 : i32
    %sign3A_21 = arith.cmpi sgt, %jit3A, %sign3A_20 : i32
    %sign3A_22 = arith.extui %sign3A_21 : i1 to i32
    %sign3A_23 = arith.constant 0 : i32
    %sign3A_24 = arith.cmpi slt, %jit3A, %sign3A_23 : i32
    %sign3A_25 = arith.extui %sign3A_24 : i1 to i32
    %sign3A_26 = arith.subi %sign3A_22, %sign3A_25 : i32
    %ne3A = arith.cmpi ne, %sign3A_19, %sign3A_26 : i32
    %rem3A = arith.remsi %squeeze3A_13, %jit3A : i32
    %ne3A_27 = arith.constant 0 : i32
    %ne3A_28 = arith.cmpi ne, %rem3A, %ne3A_27 : i32
    %and3A = arith.andi %ne3A, %ne3A_28 : i1
    %sub3A = arith.constant 1 : i32
    %sub3A_29 = arith.subi %div3A, %sub3A : i32
    %select_n3A = arith.select %and3A, %sub3A_29, %div3A : i32
    %mul3A = arith.constant 8 : i32
    %mul3A_30 = arith.muli %select_n3A, %mul3A : i32
    %while3A = scf.while (%while3A_141 = %mul3A_30) : (i32) -> i32 {
      %le3A = arith.cmpi sle, %while3A_141, %squeeze3A : i32
      scf.condition(%le3A) %while3A_141 : i32
    } do {
    ^bb0(%while3A_141: i32):
      %multiple_of3A = tpu.assume_multiple %while3A_141, 8 : i32
      %iota3A = tpu.iota {dimensions = array<i32: 0>} : vector<128x2048xi32>
      %add3A = vector.broadcast %multiple_of3A : i32 to vector<128x2048xi32>
      %add3A_142 = arith.addi %iota3A, %add3A : vector<128x2048xi32>
      %eq3A_143 = arith.cmpi eq, %add3A_142, %broadcast_in_dim3A_11 : vector<128x2048xi32>
      %convert_element_type3A_144 = arith.extui %eq3A_143 : vector<128x2048xi1> to vector<128x2048xi32>
      %convert_element_type3A_145 = arith.sitofp %convert_element_type3A_144 : vector<128x2048xi32> to vector<128x2048xf32>
      %dot_general3A = arith.constant dense<0.000000e+00> : vector<128x128xf32>
      %dot_general3A_146 = tpu.matmul %convert_element_type3A_145, %slice3A_9, %dot_general3A {dimension_numbers = #tpu.dot_dimension_numbers<[1], [0], [0], [1], [0, 0, 1, 1], [], []>, transpose_lhs_hint = false} : vector<128x2048xf32>, vector<2048x128xf32>, vector<128x128xf32> -> vector<128x128xf32>
      %get3A_147 = arith.index_cast %multiple_of3A : i32 to index
      %get3A_148 = arith.constant 0 : index
      %get3A_149 = vector.load %arg4[%get3A_147, %get3A_148] : memref<10176x128xf32, #tpu.memory_space<vmem>>, vector<128x128xf32>
      %add3A_150 = arith.addf %get3A_149, %dot_general3A_146 : vector<128x128xf32>
      %swap3A = arith.index_cast %multiple_of3A : i32 to index
      %swap3A_151 = arith.constant 0 : index
      %swap3A_152 = vector.load %arg4[%swap3A, %swap3A_151] : memref<10176x128xf32, #tpu.memory_space<vmem>>, vector<128x128xf32>
      tpu.vector_store %arg4[%swap3A, %swap3A_151], %add3A_150 {strides = array<i32>} : memref<10176x128xf32, #tpu.memory_space<vmem>>, vector<128x128xf32>,
      %add3A_153 = arith.constant 128 : i32
      %add3A_154 = arith.addi %multiple_of3A, %add3A_153 : i32
      %ge3A = vector.broadcast %add3A_154 : i32 to vector<1x2048xi32>
      %ge3A_155 = arith.cmpi sge, %slice3A, %ge3A : vector<1x2048xi32>
      %jit3A_156 = arith.constant 1073741824 : i32
      %broadcast_in_dim3A_157 = vector.broadcast %jit3A_156 : i32 to vector<1x2048xi32>
      %select_n3A_158 = arith.select %ge3A_155, %slice3A, %broadcast_in_dim3A_157 : vector<1x2048xi1>, vector<1x2048xi32>
      %reduce_min3A = vector.shape_cast %select_n3A_158 : vector<1x2048xi32> to vector<1x1x2048xi32>
      %reduce_min3A_159 = arith.constant dense<2147483647> : vector<1xi32>
      %reduce_min3A_160 = vector.multi_reduction <minsi>, %reduce_min3A, %reduce_min3A_159 [1, 2] : vector<1x1x2048xi32> to vector<1xi32>
      %reduce_min3A_161 = vector.shape_cast %reduce_min3A_160 : vector<1xi32> to vector<1x1x1xi32>
      %reduce_min3A_162 = vector.extract %reduce_min3A_161[0, 0, 0] : i32 from vector<1x1x1xi32>
      %jit3A_163 = arith.constant 8 : i32
      %div3A_164 = arith.divsi %reduce_min3A_162, %jit3A_163 : i32
      %sign3A_165 = arith.constant 0 : i32
      %sign3A_166 = arith.cmpi sgt, %reduce_min3A_162, %sign3A_165 : i32
      %sign3A_167 = arith.extui %sign3A_166 : i1 to i32
      %sign3A_168 = arith.constant 0 : i32
      %sign3A_169 = arith.cmpi slt, %reduce_min3A_162, %sign3A_168 : i32
      %sign3A_170 = arith.extui %sign3A_169 : i1 to i32
      %sign3A_171 = arith.subi %sign3A_167, %sign3A_170 : i32
      %sign3A_172 = arith.constant 0 : i32
      %sign3A_173 = arith.cmpi sgt, %jit3A_163, %sign3A_172 : i32
      %sign3A_174 = arith.extui %sign3A_173 : i1 to i32
      %sign3A_175 = arith.constant 0 : i32
      %sign3A_176 = arith.cmpi slt, %jit3A_163, %sign3A_175 : i32
      %sign3A_177 = arith.extui %sign3A_176 : i1 to i32
      %sign3A_178 = arith.subi %sign3A_174, %sign3A_177 : i32
      %ne3A_179 = arith.cmpi ne, %sign3A_171, %sign3A_178 : i32
      %rem3A_180 = arith.remsi %reduce_min3A_162, %jit3A_163 : i32
      %ne3A_181 = arith.constant 0 : i32
      %ne3A_182 = arith.cmpi ne, %rem3A_180, %ne3A_181 : i32
      %and3A_183 = arith.andi %ne3A_179, %ne3A_182 : i1
      %sub3A_184 = arith.constant 1 : i32
      %sub3A_185 = arith.subi %div3A_164, %sub3A_184 : i32
      %select_n3A_186 = arith.select %and3A_183, %sub3A_185, %div3A_164 : i32
      %mul3A_187 = arith.constant 8 : i32
      %mul3A_188 = arith.muli %select_n3A_186, %mul3A_187 : i32
      scf.yield %mul3A_188 : i32
    }
    %slice3A_31 = vector.extract_strided_slice %get3A_5 {offsets = [0, 2048], sizes = [1, 2048], strides = [1, 1]} : vector<1x8192xi32> to vector<1x2048xi32>
    %slice3A_32 = vector.extract_strided_slice %get3A_8 {offsets = [2048, 0], sizes = [2048, 128], strides = [1, 1]} : vector<8192x128xf32> to vector<2048x128xf32>
    %slice3A_33 = vector.extract_strided_slice %slice3A_31 {offsets = [0, 2047], sizes = [1, 1], strides = [1, 1]} : vector<1x2048xi32> to vector<1x1xi32>
    %squeeze3A_34 = vector.extract %slice3A_33[0, 0] : i32 from vector<1x1xi32>
    %broadcast_in_dim3A_35 = vector.shape_cast %slice3A_31 : vector<1x2048xi32> to vector<1x2048xi32>
    %broadcast_in_dim3A_36 = vector.broadcast %broadcast_in_dim3A_35 : vector<1x2048xi32> to vector<128x2048xi32>
    %slice3A_37 = vector.extract_strided_slice %slice3A_31 {offsets = [0, 0], sizes = [1, 1], strides = [1, 1]} : vector<1x2048xi32> to vector<1x1xi32>
    %squeeze3A_38 = vector.extract %slice3A_37[0, 0] : i32 from vector<1x1xi32>
    %jit3A_39 = arith.constant 8 : i32
    %div3A_40 = arith.divsi %squeeze3A_38, %jit3A_39 : i32
    %sign3A_41 = arith.constant 0 : i32
    %sign3A_42 = arith.cmpi sgt, %squeeze3A_38, %sign3A_41 : i32
    %sign3A_43 = arith.extui %sign3A_42 : i1 to i32
    %sign3A_44 = arith.constant 0 : i32
    %sign3A_45 = arith.cmpi slt, %squeeze3A_38, %sign3A_44 : i32
    %sign3A_46 = arith.extui %sign3A_45 : i1 to i32
    %sign3A_47 = arith.subi %sign3A_43, %sign3A_46 : i32
    %sign3A_48 = arith.constant 0 : i32
    %sign3A_49 = arith.cmpi sgt, %jit3A_39, %sign3A_48 : i32
    %sign3A_50 = arith.extui %sign3A_49 : i1 to i32
    %sign3A_51 = arith.constant 0 : i32
    %sign3A_52 = arith.cmpi slt, %jit3A_39, %sign3A_51 : i32
    %sign3A_53 = arith.extui %sign3A_52 : i1 to i32
    %sign3A_54 = arith.subi %sign3A_50, %sign3A_53 : i32
    %ne3A_55 = arith.cmpi ne, %sign3A_47, %sign3A_54 : i32
    %rem3A_56 = arith.remsi %squeeze3A_38, %jit3A_39 : i32
    %ne3A_57 = arith.constant 0 : i32
    %ne3A_58 = arith.cmpi ne, %rem3A_56, %ne3A_57 : i32
    %and3A_59 = arith.andi %ne3A_55, %ne3A_58 : i1
    %sub3A_60 = arith.constant 1 : i32
    %sub3A_61 = arith.subi %div3A_40, %sub3A_60 : i32
    %select_n3A_62 = arith.select %and3A_59, %sub3A_61, %div3A_40 : i32
    %mul3A_63 = arith.constant 8 : i32
    %mul3A_64 = arith.muli %select_n3A_62, %mul3A_63 : i32
    %while3A_65 = scf.while (%while3A_141 = %mul3A_64) : (i32) -> i32 {
      %le3A = arith.cmpi sle, %while3A_141, %squeeze3A_34 : i32
      scf.condition(%le3A) %while3A_141 : i32
    } do {
    ^bb0(%while3A_141: i32):
      %multiple_of3A = tpu.assume_multiple %while3A_141, 8 : i32
      %iota3A = tpu.iota {dimensions = array<i32: 0>} : vector<128x2048xi32>
      %add3A = vector.broadcast %multiple_of3A : i32 to vector<128x2048xi32>
      %add3A_142 = arith.addi %iota3A, %add3A : vector<128x2048xi32>
      %eq3A_143 = arith.cmpi eq, %add3A_142, %broadcast_in_dim3A_36 : vector<128x2048xi32>
      %convert_element_type3A_144 = arith.extui %eq3A_143 : vector<128x2048xi1> to vector<128x2048xi32>
      %convert_element_type3A_145 = arith.sitofp %convert_element_type3A_144 : vector<128x2048xi32> to vector<128x2048xf32>
      %dot_general3A = arith.constant dense<0.000000e+00> : vector<128x128xf32>
      %dot_general3A_146 = tpu.matmul %convert_element_type3A_145, %slice3A_32, %dot_general3A {dimension_numbers = #tpu.dot_dimension_numbers<[1], [0], [0], [1], [0, 0, 1, 1], [], []>, transpose_lhs_hint = false} : vector<128x2048xf32>, vector<2048x128xf32>, vector<128x128xf32> -> vector<128x128xf32>
      %get3A_147 = arith.index_cast %multiple_of3A : i32 to index
      %get3A_148 = arith.constant 0 : index
      %get3A_149 = vector.load %arg4[%get3A_147, %get3A_148] : memref<10176x128xf32, #tpu.memory_space<vmem>>, vector<128x128xf32>
      %add3A_150 = arith.addf %get3A_149, %dot_general3A_146 : vector<128x128xf32>
      %swap3A = arith.index_cast %multiple_of3A : i32 to index
      %swap3A_151 = arith.constant 0 : index
      %swap3A_152 = vector.load %arg4[%swap3A, %swap3A_151] : memref<10176x128xf32, #tpu.memory_space<vmem>>, vector<128x128xf32>
      tpu.vector_store %arg4[%swap3A, %swap3A_151], %add3A_150 {strides = array<i32>} : memref<10176x128xf32, #tpu.memory_space<vmem>>, vector<128x128xf32>,
      %add3A_153 = arith.constant 128 : i32
      %add3A_154 = arith.addi %multiple_of3A, %add3A_153 : i32
      %ge3A = vector.broadcast %add3A_154 : i32 to vector<1x2048xi32>
      %ge3A_155 = arith.cmpi sge, %slice3A_31, %ge3A : vector<1x2048xi32>
      %jit3A_156 = arith.constant 1073741824 : i32
      %broadcast_in_dim3A_157 = vector.broadcast %jit3A_156 : i32 to vector<1x2048xi32>
      %select_n3A_158 = arith.select %ge3A_155, %slice3A_31, %broadcast_in_dim3A_157 : vector<1x2048xi1>, vector<1x2048xi32>
      %reduce_min3A = vector.shape_cast %select_n3A_158 : vector<1x2048xi32> to vector<1x1x2048xi32>
      %reduce_min3A_159 = arith.constant dense<2147483647> : vector<1xi32>
      %reduce_min3A_160 = vector.multi_reduction <minsi>, %reduce_min3A, %reduce_min3A_159 [1, 2] : vector<1x1x2048xi32> to vector<1xi32>
      %reduce_min3A_161 = vector.shape_cast %reduce_min3A_160 : vector<1xi32> to vector<1x1x1xi32>
      %reduce_min3A_162 = vector.extract %reduce_min3A_161[0, 0, 0] : i32 from vector<1x1x1xi32>
      %jit3A_163 = arith.constant 8 : i32
      %div3A_164 = arith.divsi %reduce_min3A_162, %jit3A_163 : i32
      %sign3A_165 = arith.constant 0 : i32
      %sign3A_166 = arith.cmpi sgt, %reduce_min3A_162, %sign3A_165 : i32
      %sign3A_167 = arith.extui %sign3A_166 : i1 to i32
      %sign3A_168 = arith.constant 0 : i32
      %sign3A_169 = arith.cmpi slt, %reduce_min3A_162, %sign3A_168 : i32
      %sign3A_170 = arith.extui %sign3A_169 : i1 to i32
      %sign3A_171 = arith.subi %sign3A_167, %sign3A_170 : i32
      %sign3A_172 = arith.constant 0 : i32
      %sign3A_173 = arith.cmpi sgt, %jit3A_163, %sign3A_172 : i32
      %sign3A_174 = arith.extui %sign3A_173 : i1 to i32
      %sign3A_175 = arith.constant 0 : i32
      %sign3A_176 = arith.cmpi slt, %jit3A_163, %sign3A_175 : i32
      %sign3A_177 = arith.extui %sign3A_176 : i1 to i32
      %sign3A_178 = arith.subi %sign3A_174, %sign3A_177 : i32
      %ne3A_179 = arith.cmpi ne, %sign3A_171, %sign3A_178 : i32
      %rem3A_180 = arith.remsi %reduce_min3A_162, %jit3A_163 : i32
      %ne3A_181 = arith.constant 0 : i32
      %ne3A_182 = arith.cmpi ne, %rem3A_180, %ne3A_181 : i32
      %and3A_183 = arith.andi %ne3A_179, %ne3A_182 : i1
      %sub3A_184 = arith.constant 1 : i32
      %sub3A_185 = arith.subi %div3A_164, %sub3A_184 : i32
      %select_n3A_186 = arith.select %and3A_183, %sub3A_185, %div3A_164 : i32
      %mul3A_187 = arith.constant 8 : i32
      %mul3A_188 = arith.muli %select_n3A_186, %mul3A_187 : i32
      scf.yield %mul3A_188 : i32
    }
    %slice3A_66 = vector.extract_strided_slice %get3A_5 {offsets = [0, 4096], sizes = [1, 2048], strides = [1, 1]} : vector<1x8192xi32> to vector<1x2048xi32>
    %slice3A_67 = vector.extract_strided_slice %get3A_8 {offsets = [4096, 0], sizes = [2048, 128], strides = [1, 1]} : vector<8192x128xf32> to vector<2048x128xf32>
    %slice3A_68 = vector.extract_strided_slice %slice3A_66 {offsets = [0, 2047], sizes = [1, 1], strides = [1, 1]} : vector<1x2048xi32> to vector<1x1xi32>
    %squeeze3A_69 = vector.extract %slice3A_68[0, 0] : i32 from vector<1x1xi32>
    %broadcast_in_dim3A_70 = vector.shape_cast %slice3A_66 : vector<1x2048xi32> to vector<1x2048xi32>
    %broadcast_in_dim3A_71 = vector.broadcast %broadcast_in_dim3A_70 : vector<1x2048xi32> to vector<128x2048xi32>
    %slice3A_72 = vector.extract_strided_slice %slice3A_66 {offsets = [0, 0], sizes = [1, 1], strides = [1, 1]} : vector<1x2048xi32> to vector<1x1xi32>
    %squeeze3A_73 = vector.extract %slice3A_72[0, 0] : i32 from vector<1x1xi32>
    %jit3A_74 = arith.constant 8 : i32
    %div3A_75 = arith.divsi %squeeze3A_73, %jit3A_74 : i32
    %sign3A_76 = arith.constant 0 : i32
    %sign3A_77 = arith.cmpi sgt, %squeeze3A_73, %sign3A_76 : i32
    %sign3A_78 = arith.extui %sign3A_77 : i1 to i32
    %sign3A_79 = arith.constant 0 : i32
    %sign3A_80 = arith.cmpi slt, %squeeze3A_73, %sign3A_79 : i32
    %sign3A_81 = arith.extui %sign3A_80 : i1 to i32
    %sign3A_82 = arith.subi %sign3A_78, %sign3A_81 : i32
    %sign3A_83 = arith.constant 0 : i32
    %sign3A_84 = arith.cmpi sgt, %jit3A_74, %sign3A_83 : i32
    %sign3A_85 = arith.extui %sign3A_84 : i1 to i32
    %sign3A_86 = arith.constant 0 : i32
    %sign3A_87 = arith.cmpi slt, %jit3A_74, %sign3A_86 : i32
    %sign3A_88 = arith.extui %sign3A_87 : i1 to i32
    %sign3A_89 = arith.subi %sign3A_85, %sign3A_88 : i32
    %ne3A_90 = arith.cmpi ne, %sign3A_82, %sign3A_89 : i32
    %rem3A_91 = arith.remsi %squeeze3A_73, %jit3A_74 : i32
    %ne3A_92 = arith.constant 0 : i32
    %ne3A_93 = arith.cmpi ne, %rem3A_91, %ne3A_92 : i32
    %and3A_94 = arith.andi %ne3A_90, %ne3A_93 : i1
    %sub3A_95 = arith.constant 1 : i32
    %sub3A_96 = arith.subi %div3A_75, %sub3A_95 : i32
    %select_n3A_97 = arith.select %and3A_94, %sub3A_96, %div3A_75 : i32
    %mul3A_98 = arith.constant 8 : i32
    %mul3A_99 = arith.muli %select_n3A_97, %mul3A_98 : i32
    %while3A_100 = scf.while (%while3A_141 = %mul3A_99) : (i32) -> i32 {
      %le3A = arith.cmpi sle, %while3A_141, %squeeze3A_69 : i32
      scf.condition(%le3A) %while3A_141 : i32
    } do {
    ^bb0(%while3A_141: i32):
      %multiple_of3A = tpu.assume_multiple %while3A_141, 8 : i32
      %iota3A = tpu.iota {dimensions = array<i32: 0>} : vector<128x2048xi32>
      %add3A = vector.broadcast %multiple_of3A : i32 to vector<128x2048xi32>
      %add3A_142 = arith.addi %iota3A, %add3A : vector<128x2048xi32>
      %eq3A_143 = arith.cmpi eq, %add3A_142, %broadcast_in_dim3A_71 : vector<128x2048xi32>
      %convert_element_type3A_144 = arith.extui %eq3A_143 : vector<128x2048xi1> to vector<128x2048xi32>
      %convert_element_type3A_145 = arith.sitofp %convert_element_type3A_144 : vector<128x2048xi32> to vector<128x2048xf32>
      %dot_general3A = arith.constant dense<0.000000e+00> : vector<128x128xf32>
      %dot_general3A_146 = tpu.matmul %convert_element_type3A_145, %slice3A_67, %dot_general3A {dimension_numbers = #tpu.dot_dimension_numbers<[1], [0], [0], [1], [0, 0, 1, 1], [], []>, transpose_lhs_hint = false} : vector<128x2048xf32>, vector<2048x128xf32>, vector<128x128xf32> -> vector<128x128xf32>
      %get3A_147 = arith.index_cast %multiple_of3A : i32 to index
      %get3A_148 = arith.constant 0 : index
      %get3A_149 = vector.load %arg4[%get3A_147, %get3A_148] : memref<10176x128xf32, #tpu.memory_space<vmem>>, vector<128x128xf32>
      %add3A_150 = arith.addf %get3A_149, %dot_general3A_146 : vector<128x128xf32>
      %swap3A = arith.index_cast %multiple_of3A : i32 to index
      %swap3A_151 = arith.constant 0 : index
      %swap3A_152 = vector.load %arg4[%swap3A, %swap3A_151] : memref<10176x128xf32, #tpu.memory_space<vmem>>, vector<128x128xf32>
      tpu.vector_store %arg4[%swap3A, %swap3A_151], %add3A_150 {strides = array<i32>} : memref<10176x128xf32, #tpu.memory_space<vmem>>, vector<128x128xf32>,
      %add3A_153 = arith.constant 128 : i32
      %add3A_154 = arith.addi %multiple_of3A, %add3A_153 : i32
      %ge3A = vector.broadcast %add3A_154 : i32 to vector<1x2048xi32>
      %ge3A_155 = arith.cmpi sge, %slice3A_66, %ge3A : vector<1x2048xi32>
      %jit3A_156 = arith.constant 1073741824 : i32
      %broadcast_in_dim3A_157 = vector.broadcast %jit3A_156 : i32 to vector<1x2048xi32>
      %select_n3A_158 = arith.select %ge3A_155, %slice3A_66, %broadcast_in_dim3A_157 : vector<1x2048xi1>, vector<1x2048xi32>
      %reduce_min3A = vector.shape_cast %select_n3A_158 : vector<1x2048xi32> to vector<1x1x2048xi32>
      %reduce_min3A_159 = arith.constant dense<2147483647> : vector<1xi32>
      %reduce_min3A_160 = vector.multi_reduction <minsi>, %reduce_min3A, %reduce_min3A_159 [1, 2] : vector<1x1x2048xi32> to vector<1xi32>
      %reduce_min3A_161 = vector.shape_cast %reduce_min3A_160 : vector<1xi32> to vector<1x1x1xi32>
      %reduce_min3A_162 = vector.extract %reduce_min3A_161[0, 0, 0] : i32 from vector<1x1x1xi32>
      %jit3A_163 = arith.constant 8 : i32
      %div3A_164 = arith.divsi %reduce_min3A_162, %jit3A_163 : i32
      %sign3A_165 = arith.constant 0 : i32
      %sign3A_166 = arith.cmpi sgt, %reduce_min3A_162, %sign3A_165 : i32
      %sign3A_167 = arith.extui %sign3A_166 : i1 to i32
      %sign3A_168 = arith.constant 0 : i32
      %sign3A_169 = arith.cmpi slt, %reduce_min3A_162, %sign3A_168 : i32
      %sign3A_170 = arith.extui %sign3A_169 : i1 to i32
      %sign3A_171 = arith.subi %sign3A_167, %sign3A_170 : i32
      %sign3A_172 = arith.constant 0 : i32
      %sign3A_173 = arith.cmpi sgt, %jit3A_163, %sign3A_172 : i32
      %sign3A_174 = arith.extui %sign3A_173 : i1 to i32
      %sign3A_175 = arith.constant 0 : i32
      %sign3A_176 = arith.cmpi slt, %jit3A_163, %sign3A_175 : i32
      %sign3A_177 = arith.extui %sign3A_176 : i1 to i32
      %sign3A_178 = arith.subi %sign3A_174, %sign3A_177 : i32
      %ne3A_179 = arith.cmpi ne, %sign3A_171, %sign3A_178 : i32
      %rem3A_180 = arith.remsi %reduce_min3A_162, %jit3A_163 : i32
      %ne3A_181 = arith.constant 0 : i32
      %ne3A_182 = arith.cmpi ne, %rem3A_180, %ne3A_181 : i32
      %and3A_183 = arith.andi %ne3A_179, %ne3A_182 : i1
      %sub3A_184 = arith.constant 1 : i32
      %sub3A_185 = arith.subi %div3A_164, %sub3A_184 : i32
      %select_n3A_186 = arith.select %and3A_183, %sub3A_185, %div3A_164 : i32
      %mul3A_187 = arith.constant 8 : i32
      %mul3A_188 = arith.muli %select_n3A_186, %mul3A_187 : i32
      scf.yield %mul3A_188 : i32
    }
    %slice3A_101 = vector.extract_strided_slice %get3A_5 {offsets = [0, 6144], sizes = [1, 2048], strides = [1, 1]} : vector<1x8192xi32> to vector<1x2048xi32>
    %slice3A_102 = vector.extract_strided_slice %get3A_8 {offsets = [6144, 0], sizes = [2048, 128], strides = [1, 1]} : vector<8192x128xf32> to vector<2048x128xf32>
    %slice3A_103 = vector.extract_strided_slice %slice3A_101 {offsets = [0, 2047], sizes = [1, 1], strides = [1, 1]} : vector<1x2048xi32> to vector<1x1xi32>
    %squeeze3A_104 = vector.extract %slice3A_103[0, 0] : i32 from vector<1x1xi32>
    %broadcast_in_dim3A_105 = vector.shape_cast %slice3A_101 : vector<1x2048xi32> to vector<1x2048xi32>
    %broadcast_in_dim3A_106 = vector.broadcast %broadcast_in_dim3A_105 : vector<1x2048xi32> to vector<128x2048xi32>
    %slice3A_107 = vector.extract_strided_slice %slice3A_101 {offsets = [0, 0], sizes = [1, 1], strides = [1, 1]} : vector<1x2048xi32> to vector<1x1xi32>
    %squeeze3A_108 = vector.extract %slice3A_107[0, 0] : i32 from vector<1x1xi32>
    %jit3A_109 = arith.constant 8 : i32
    %div3A_110 = arith.divsi %squeeze3A_108, %jit3A_109 : i32
    %sign3A_111 = arith.constant 0 : i32
    %sign3A_112 = arith.cmpi sgt, %squeeze3A_108, %sign3A_111 : i32
    %sign3A_113 = arith.extui %sign3A_112 : i1 to i32
    %sign3A_114 = arith.constant 0 : i32
    %sign3A_115 = arith.cmpi slt, %squeeze3A_108, %sign3A_114 : i32
    %sign3A_116 = arith.extui %sign3A_115 : i1 to i32
    %sign3A_117 = arith.subi %sign3A_113, %sign3A_116 : i32
    %sign3A_118 = arith.constant 0 : i32
    %sign3A_119 = arith.cmpi sgt, %jit3A_109, %sign3A_118 : i32
    %sign3A_120 = arith.extui %sign3A_119 : i1 to i32
    %sign3A_121 = arith.constant 0 : i32
    %sign3A_122 = arith.cmpi slt, %jit3A_109, %sign3A_121 : i32
    %sign3A_123 = arith.extui %sign3A_122 : i1 to i32
    %sign3A_124 = arith.subi %sign3A_120, %sign3A_123 : i32
    %ne3A_125 = arith.cmpi ne, %sign3A_117, %sign3A_124 : i32
    %rem3A_126 = arith.remsi %squeeze3A_108, %jit3A_109 : i32
    %ne3A_127 = arith.constant 0 : i32
    %ne3A_128 = arith.cmpi ne, %rem3A_126, %ne3A_127 : i32
    %and3A_129 = arith.andi %ne3A_125, %ne3A_128 : i1
    %sub3A_130 = arith.constant 1 : i32
    %sub3A_131 = arith.subi %div3A_110, %sub3A_130 : i32
    %select_n3A_132 = arith.select %and3A_129, %sub3A_131, %div3A_110 : i32
    %mul3A_133 = arith.constant 8 : i32
    %mul3A_134 = arith.muli %select_n3A_132, %mul3A_133 : i32
    %while3A_135 = scf.while (%while3A_141 = %mul3A_134) : (i32) -> i32 {
      %le3A = arith.cmpi sle, %while3A_141, %squeeze3A_104 : i32
      scf.condition(%le3A) %while3A_141 : i32
    } do {
    ^bb0(%while3A_141: i32):
      %multiple_of3A = tpu.assume_multiple %while3A_141, 8 : i32
      %iota3A = tpu.iota {dimensions = array<i32: 0>} : vector<128x2048xi32>
      %add3A = vector.broadcast %multiple_of3A : i32 to vector<128x2048xi32>
      %add3A_142 = arith.addi %iota3A, %add3A : vector<128x2048xi32>
      %eq3A_143 = arith.cmpi eq, %add3A_142, %broadcast_in_dim3A_106 : vector<128x2048xi32>
      %convert_element_type3A_144 = arith.extui %eq3A_143 : vector<128x2048xi1> to vector<128x2048xi32>
      %convert_element_type3A_145 = arith.sitofp %convert_element_type3A_144 : vector<128x2048xi32> to vector<128x2048xf32>
      %dot_general3A = arith.constant dense<0.000000e+00> : vector<128x128xf32>
      %dot_general3A_146 = tpu.matmul %convert_element_type3A_145, %slice3A_102, %dot_general3A {dimension_numbers = #tpu.dot_dimension_numbers<[1], [0], [0], [1], [0, 0, 1, 1], [], []>, transpose_lhs_hint = false} : vector<128x2048xf32>, vector<2048x128xf32>, vector<128x128xf32> -> vector<128x128xf32>
      %get3A_147 = arith.index_cast %multiple_of3A : i32 to index
      %get3A_148 = arith.constant 0 : index
      %get3A_149 = vector.load %arg4[%get3A_147, %get3A_148] : memref<10176x128xf32, #tpu.memory_space<vmem>>, vector<128x128xf32>
      %add3A_150 = arith.addf %get3A_149, %dot_general3A_146 : vector<128x128xf32>
      %swap3A = arith.index_cast %multiple_of3A : i32 to index
      %swap3A_151 = arith.constant 0 : index
      %swap3A_152 = vector.load %arg4[%swap3A, %swap3A_151] : memref<10176x128xf32, #tpu.memory_space<vmem>>, vector<128x128xf32>
      tpu.vector_store %arg4[%swap3A, %swap3A_151], %add3A_150 {strides = array<i32>} : memref<10176x128xf32, #tpu.memory_space<vmem>>, vector<128x128xf32>,
      %add3A_153 = arith.constant 128 : i32
      %add3A_154 = arith.addi %multiple_of3A, %add3A_153 : i32
      %ge3A = vector.broadcast %add3A_154 : i32 to vector<1x2048xi32>
      %ge3A_155 = arith.cmpi sge, %slice3A_101, %ge3A : vector<1x2048xi32>
      %jit3A_156 = arith.constant 1073741824 : i32
      %broadcast_in_dim3A_157 = vector.broadcast %jit3A_156 : i32 to vector<1x2048xi32>
      %select_n3A_158 = arith.select %ge3A_155, %slice3A_101, %broadcast_in_dim3A_157 : vector<1x2048xi1>, vector<1x2048xi32>
      %reduce_min3A = vector.shape_cast %select_n3A_158 : vector<1x2048xi32> to vector<1x1x2048xi32>
      %reduce_min3A_159 = arith.constant dense<2147483647> : vector<1xi32>
      %reduce_min3A_160 = vector.multi_reduction <minsi>, %reduce_min3A, %reduce_min3A_159 [1, 2] : vector<1x1x2048xi32> to vector<1xi32>
      %reduce_min3A_161 = vector.shape_cast %reduce_min3A_160 : vector<1xi32> to vector<1x1x1xi32>
      %reduce_min3A_162 = vector.extract %reduce_min3A_161[0, 0, 0] : i32 from vector<1x1x1xi32>
      %jit3A_163 = arith.constant 8 : i32
      %div3A_164 = arith.divsi %reduce_min3A_162, %jit3A_163 : i32
      %sign3A_165 = arith.constant 0 : i32
      %sign3A_166 = arith.cmpi sgt, %reduce_min3A_162, %sign3A_165 : i32
      %sign3A_167 = arith.extui %sign3A_166 : i1 to i32
      %sign3A_168 = arith.constant 0 : i32
      %sign3A_169 = arith.cmpi slt, %reduce_min3A_162, %sign3A_168 : i32
      %sign3A_170 = arith.extui %sign3A_169 : i1 to i32
      %sign3A_171 = arith.subi %sign3A_167, %sign3A_170 : i32
      %sign3A_172 = arith.constant 0 : i32
      %sign3A_173 = arith.cmpi sgt, %jit3A_163, %sign3A_172 : i32
      %sign3A_174 = arith.extui %sign3A_173 : i1 to i32
      %sign3A_175 = arith.constant 0 : i32
      %sign3A_176 = arith.cmpi slt, %jit3A_163, %sign3A_175 : i32
      %sign3A_177 = arith.extui %sign3A_176 : i1 to i32
      %sign3A_178 = arith.subi %sign3A_174, %sign3A_177 : i32
      %ne3A_179 = arith.cmpi ne, %sign3A_171, %sign3A_178 : i32
      %rem3A_180 = arith.remsi %reduce_min3A_162, %jit3A_163 : i32
      %ne3A_181 = arith.constant 0 : i32
      %ne3A_182 = arith.cmpi ne, %rem3A_180, %ne3A_181 : i32
      %and3A_183 = arith.andi %ne3A_179, %ne3A_182 : i1
      %sub3A_184 = arith.constant 1 : i32
      %sub3A_185 = arith.subi %div3A_164, %sub3A_184 : i32
      %select_n3A_186 = arith.select %and3A_183, %sub3A_185, %div3A_164 : i32
      %mul3A_187 = arith.constant 8 : i32
      %mul3A_188 = arith.muli %select_n3A_186, %mul3A_187 : i32
      scf.yield %mul3A_188 : i32
    }
    %eq3A_136 = arith.constant 23 : i32
    %eq3A_137 = arith.cmpi eq, %arg0, %eq3A_136 : i32
    %convert_element_type3A_138 = arith.extui %eq3A_137 : i1 to i32
    %cond3A_139 = arith.constant 0 : i32
    %cond3A_140 = arith.cmpi ne, %convert_element_type3A_138, %cond3A_139 : i32
    scf.if %cond3A_140 {
      %get3A_141 = arith.constant 0 : index
      %get3A_142 = arith.constant 0 : index
      %get3A_143 = vector.load %arg4[%get3A_141, %get3A_142] : memref<10176x128xf32, #tpu.memory_space<vmem>>, vector<10000x128xf32>
      %swap3A = arith.constant 0 : index
      %swap3A_144 = arith.constant 0 : index
      %swap3A_145 = vector.load %arg3[%swap3A, %swap3A_144] : memref<10000x128xf32, #tpu.memory_space<vmem>>, vector<10000x128xf32>
      tpu.vector_store %arg3[%swap3A, %swap3A_144], %get3A_143 {strides = array<i32>} : memref<10000x128xf32, #tpu.memory_space<vmem>>, vector<10000x128xf32>,
    } else {
    }
    return
  }
  func.func @transform_0(%arg0: i32) -> (i32, i32, i32) {
    %c0_i32 = arith.constant 0 : i32
    %c0_i32_0 = arith.constant 0 : i32
    %c0_i32_1 = arith.constant 0 : i32
    return %arg0, %c0_i32, %c0_i32_0 : i32, i32, i32
  }
  func.func @transform_1(%arg0: i32) -> (i32, i32) {
    %c0_i32 = arith.constant 0 : i32
    %c0_i32_0 = arith.constant 0 : i32
    return %arg0, %c0_i32 : i32, i32
  }
  func.func @transform_2(%arg0: i32) -> (i32, i32) {
    %c0_i32 = arith.constant 0 : i32
    %c0_i32_0 = arith.constant 0 : i32
    %c0_i32_1 = arith.constant 0 : i32
    return %c0_i32, %c0_i32_0 : i32, i32
  }
}

</mosaic_0001>

<sc_bundles>
// kernel: kernel.5.cloned.1.call-start
scs
__scs_entry_jumppad:
0x0: {  	(pc) =	sbr.rel $0x88, $3  }
0x1: {  	(tag) =	ssettag $0x0;
	lr =	simm.s32 $0x1  }
0x2: {  	[smem:$0x3F9F] =	sst lr;
	_ =	strace $0xD0000000  }
0x3: {  	_ = 	snop  }
0x4: {  	_ = 	snop  }
0x5: {  	_ = 	snop  }
0x6: {  	_ = 	snop  }
0x7: {  	_ = 	snop  }
__scs_overlays_trampoline_lowered:
0x8: {  	[smem:$0x3FAE] =	sst s0  }
0x9: {  	[smem:$0x3FAF] =	sst s1  }
0xa: {  	[smem:$0x3FB0] =	sst s2  }
0xb: {  	[smem:$0x3FB1] =	sst s3  }
0xc: {  	[smem:$0x3FB2] =	sst s4  }
0xd: {  	[smem:$0x3FB3] =	sst s5  }
0xe: {  	[smem:$0x3FB4] =	sst s6  }
0xf: {  	[smem:$0x3FB5] =	sst s7  }
0x10: {  	[smem:$0x3FB6] =	sst s8  }
0x11: {  	[smem:$0x3FB7] =	sst s9;
	s0 =	simm.s32 @!p0 $0x0  }
0x12: {  	s1 =	sld [smem:$0x3F9D];
	s0 =	simm.s32 @p0 $0x1  }
0x13: {  	[smem:$0x3FB8] =	sst s0;
	s0 =	simm.s32 @!p1 $0x0  }
0x14: {  	s2 =	sld [smem:$0x3F9C];
	s0 =	simm.s32 @p1 $0x1  }
0x15: {  	[smem:$0x3FB9] =	sst s0;
	s0 =	simm.s32 @!p2 $0x0  }
0x16: {  	s3 =	sld [smem:$0x3FDB];
	s0 =	simm.s32 @p2 $0x1  }
0x17: {  	s4 =	simm.s32 $0x1BF5;
	[smem:$0x3FBB] =	sst s0  }
0x18: {  	s0 =	sld [smem:$0x3F9E];
	_ =	swait.ge [sflag:s4], $0x0  }
0x19: {  	s7 =	sld [smem:$0x3F9F]  }
0x1a: {  	s8 =	sadd.s32 $0xFFFFE003, lr  }
0x1b: {  	s9 =	sadd.s32 $0xFFFFFEF7, lr;
	s5 =	simm.s32 $0xFFFFFFFF;
	p2 =	slt.u32 s8, $0xFFFFF086  }
0x1c: {  	p1 =	slt.u32 s9, $0xF7A;
	s5 =	simm.s32 @!p2 $0x0  }
0x1d: {  	s5 =	simm.s32 @p1 $0x1;
	p0 =	seq.s32 s7, s2  }
0x1e: {  	s7 =	smul.u32 @!p0 $0xF7A, s2;
	p2 =	seq.s32 @!p0 s5, $0x0  }
0x1f: {  	s9 =	smul.u32 $0xF7A, s1;
	s8 =	simm.s32 @!p0 $0x1BF5;
	p2 =	por !p2, p0  }
0x20: {  	[sflag:s8] =	ssyncset.s32 @!p0 $0xFFFFF086;
	s6 =	sadd.s32 @!p0 s3, s7;
	s7 =	simm.s32 @!p0 $0x108  }
0x21: {  	s3 =	sadd.s32 s3, s9;
	s6 =	sadd.s32 @!p0 $0x88, s6;
	s7 =	simm.s32 @p2 $0x1082  }
0x22: {  	[simem:s7], [sflag:s8] =	dma.local @!p0 [hbm:s6], $0xF7A  }
0x23: {  	s9 =	sor.u32 $0xD0000000, s2;
	s6 =	simm.s32 $0x108;
	_ =	swait.ge @!p0 [sflag:s8], $0x0  }
0x24: {  	s3 =	sadd.s32 $0x88, s3;
	s6 =	simm.s32 @!p1 $0x1082;
	[sflag:s4] =	ssyncset.s32 $0xFFFFF086  }
0x25: {  	[simem:s6], [sflag:s4] =	dma.local [hbm:s3], $0xF7A  }
0x26: {  	[smem:$0x3F9F] =	sst s1;
	(tag) =	ssettag s2;
	_ =	strace s9  }
0x27: {  	s1 =	sld [smem:$0x3FAF]  }
0x28: {  	s2 =	sld [smem:$0x3FB0]  }
0x29: {  	s4 =	sld [smem:$0x3FB2]  }
0x2a: {  	p0 =	seq.s32 s5, $0x0;
	s5 =	sld [smem:$0x3FB3]  }
0x2b: {  	s6 =	sld [smem:$0x3FB4]  }
0x2c: {  	s7 =	sld [smem:$0x3FB5]  }
0x2d: {  	s3 =	simm.s32 $0x108;
	s8 =	sld [smem:$0x3FB6]  }
0x2e: {  	s3 =	simm.s32 @!p0 $0x1082;
	s9 =	sld [smem:$0x3FB7]  }
0x2f: {  	lr =	sadd.s32 s0, s3;
	s0 =	sld [smem:$0x3FAE]  }
0x30: {  	s3 =	sld [smem:$0x3FB1]  }
0x31: {  	[smem:$0x3FBA] =	sst s10  }
0x32: {  	s10 =	sld [smem:$0x3FB8];
	_ =	sdelay $0x3  }
0x33: {  	p0 =	seq.s32 s10, $0x1;
	s10 =	sld [smem:$0x3FBA];
	_ =	sdelay $0x3  }
0x34: {  	[smem:$0x3FBA] =	sst s10  }
0x35: {  	s10 =	sld [smem:$0x3FB9];
	_ =	sdelay $0x3  }
0x36: {  	p1 =	seq.s32 s10, $0x1;
	s10 =	sld [smem:$0x3FBA];
	_ =	sdelay $0x3  }
0x37: {  	[smem:$0x3FBA] =	sst s10  }
0x38: {  	s10 =	sld [smem:$0x3FBB]  }
0x39: {  	_ = 	snop;
	(pc) =	sbr.ind lr, $3  }
0x3a: {  	_ = 	snop  }
0x3b: {  	_ = 	snop  }
0x3c: {  	p2 =	seq.s32 s10, $0x1;
	s10 =	sld [smem:$0x3FBA]  }
0x3d: {  	_ =	shalt  }
0x3e: {  	_ =	shalt  }
0x3f: {  	_ =	shalt  }
0x40: {  	_ =	shalt  }
0x41: {  	_ =	shalt  }
0x42: {  	_ =	shalt  }
0x43: {  	_ =	shalt  }
0x44: {  	_ =	shalt  }
0x45: {  	_ =	shalt  }
0x46: {  	_ =	shalt  }
0x47: {  	_ =	shalt  }
0x48: {  	_ =	shalt  }
0x49: {  	_ =	shalt  }
0x4a: {  	_ =	shalt  }
0x4b: {  	_ =	shalt  }
0x4c: {  	_ =	shalt  }
0x4d: {  	_ =	shalt  }
0x4e: {  	_ =	shalt  }
0x4f: {  	_ =	shalt  }
0x50: {  	_ =	shalt  }
0x51: {  	_ =	shalt  }
0x52: {  	_ =	shalt  }
0x53: {  	_ =	shalt  }
0x54: {  	_ =	shalt  }
0x55: {  	_ =	shalt  }
0x56: {  	_ =	shalt  }
0x57: {  	_ =	shalt  }
0x58: {  	_ =	shalt  }
0x59: {  	_ =	shalt  }
0x5a: {  	_ =	shalt  }
0x5b: {  	_ =	shalt  }
0x5c: {  	_ =	shalt  }
0x5d: {  	_ =	shalt  }
0x5e: {  	_ =	shalt  }
0x5f: {  	_ =	shalt  }
0x60: {  	_ =	shalt  }
0x61: {  	_ =	shalt  }
0x62: {  	_ =	shalt  }
0x63: {  	_ =	shalt  }
0x64: {  	_ =	shalt  }
0x65: {  	_ =	shalt  }
0x66: {  	_ =	shalt  }
0x67: {  	_ =	shalt  }
0x68: {  	_ =	shalt  }
0x69: {  	_ =	shalt  }
0x6a: {  	_ =	shalt  }
0x6b: {  	_ =	shalt  }
0x6c: {  	_ =	shalt  }
0x6d: {  	_ =	shalt  }
0x6e: {  	_ =	shalt  }
0x6f: {  	_ =	shalt  }
0x70: {  	_ =	shalt  }
0x71: {  	_ =	shalt  }
0x72: {  	_ =	shalt  }
0x73: {  	_ =	shalt  }
0x74: {  	_ =	shalt  }
0x75: {  	_ =	shalt  }
0x76: {  	_ =	shalt  }
0x77: {  	_ =	shalt  }
0x78: {  	_ =	shalt  }
0x79: {  	_ =	shalt  }
0x7a: {  	_ =	shalt  }
0x7b: {  	_ =	shalt  }
0x7c: {  	_ =	shalt  }
0x7d: {  	_ =	shalt  }
0x7e: {  	_ =	shalt  }
0x7f: {  	_ =	shalt  }
0x80: {  	_ =	shalt  }
0x81: {  	_ =	shalt  }
0x82: {  	_ =	shalt  }
0x83: {  	_ =	shalt  }
0x84: {  	_ =	shalt  }
0x85: {  	_ =	shalt  }
0x86: {  	_ =	shalt  }
0x87: {  	_ =	shalt  }
.Lfunc_end0:
.L_simem_size_0:
called_computation_lowered:
.L_overlay_start_0:
0x88: {  	s2 =	sld [smem:$0x3FD9]  }
0x89: {  	s3 =	sld [smem:$0x3FFE];
	_ =	sdelay $0x1  }
0x8a: {  	s1 =	srdreg.scid  }
0x8b: {  	s0 =	sand.u32 $0x1, s1  }
0x8c: {  	s17 =	sshll.u32 s0, $0xA;
	s2 =	sadd.s32 s3, s2  }
0x8d: {  	s2 =	sadd.s32 s2, s17  }
0x8e: {  	[smem:$0x3FC6] =	sst s2  }
0x8f: {  	_ = 	snop  }
0x90: {  	s2 =	sld [smem:$0x3FC9]  }
0x91: {  	s18 =	sld [smem:$0x3FC8];
	(tm) =	ssettm $0x1  }
0x92: {  	s4 =	sld [smem:$0x3FFB];
	_ =	sdelay $0x3  }
0x93: {  	_ =	strace s4  }
0x94: {  	s4 =	sld [smem:$0x3FFC];
	_ =	sdelay $0x3  }
0x95: {  	_ =	strace s4  }
0x96: {  	s4 =	sld [smem:$0x3FFD];
	_ =	sdelay $0x3  }
0x97: {  	_ =	strace s4  }
0x98: {  	_ =	strace $0x8FFFFFFF  }
0x99: {  	s19 =	sld [smem:$0x3FDB];
	_ =	sdelay $0x1  }
0x9a: {  	s5 =	simm.s32 $_scs_section_size  }
0x9b: {  	s6 =	simm.s32 $_size__tile_overlayer_lowered;
	s7 =	simm.s32 $_tile_overlayer_lowered  }
0x9c: {  	s22 =	simm.s32 $0x1BFF;
	s21 =	sshll.u32 s7, $0x1;
	s4 =	sadd.s32 s5, s19  }
0x9d: {  	s8 =	simm.s32 $0x0;
	s20 =	sshll.u32 s6, $0x1;
	s6 =	sadd.s32 s21, s4  }
0x9e: {  	[timem:s8], [sflag:s22] =	dma.local [hbm:s6], s20  }
0x9f: {  	_ =	swait.ge [sflag:s22], s20  }
0xa0: {  	s5 =	ssub.s32 $0x0, s20;
	[sflag:s22] =	ssyncset.done $0x0  }
0xa1: {  	[sflag:s22] =	ssyncadd.s32 s5;
	_ =	sdelay $0x1  }
0xa2: {  	s23 =	simm.s32 $0x1B8B  }
0xa3: {  	_ =	swait.ge [sflag:s23], $0x1  }
0xa4: {  	[sflag:s23] =	ssyncset.done $0x0  }
0xa5: {  	s25 =	simm.s32 $0x1B8E;
	s24 =	sld [smem:$0x3FFE];
	[sflag:s23] =	ssyncadd.s32 $0xFFFFFFFF  }
0xa6: {  	s26 =	simm.s32 $execute0_lowered;
	[smem:$0x3FD2] =	sst s25  }
0xa7: {  	s6 =	sshll.u32 s26, $0x1;
	_ =	strace $0x80000046;
	[dreg:$0x1] =	wrdreg $0xFFFFFFFF  }
0xa8: {  	s28 =	simm.s32 $_size_execute0_lowered;
	s4 =	sadd.s32 s4, s6;
	[dreg:$0x0] =	wrdreg $0x0  }
0xa9: {  	s6 =	sshll.u32 s28, $0x1;
	[dreg:$0x2] =	wrdreg s4  }
0xaa: {  	[dreg:$0x3] =	wrdreg s6  }
0xab: {  	[dreg:$0x4] =	wrdreg $0xC0  }
0xac: {  	_ =	task [dreg:s8], $0x5FFFF  }
0xad: {  	[dreg:$0x1] =	wrdreg $0xFFFFFFFF  }
0xae: {  	[dreg:$0x0] =	wrdreg $0x60  }
0xaf: {  	[dreg:$0x2] =	wrdreg s2  }
0xb0: {  	[dreg:$0x3] =	wrdreg s18  }
0xb1: {  	[dreg:$0x4] =	wrdreg s24  }
0xb2: {  	[dreg:$0x5] =	wrdreg $0x0  }
0xb3: {  	[dreg:$0x6] =	wrdreg $0x9  }
0xb4: {  	_ =	task.clear_ibuf [dreg:s8], $0x7FFFF;
	_ =	strace $0x90000046  }
0xb5: {  	s29 =	simm.s32 $0x9;
	_ =	strace $0x8000004E  }
0xb6: {  	_ =	swait.ge [sflag:s29], $0x1  }
0xb7: {  	[sflag:s29] =	ssyncadd.s32 $0xFFFFFFFF  }
0xb8: {  	_ =	strace $0x9000004E  }
0xb9: {  	_ =	sfence  }
0xba: {  	s30 =	sld [smem:$0x0];
	_ =	sdelay $0x2  }
0xbb: {  	s31 =	sshll.u32 s1, $0xD;
	s1 =	sshrl.u32 s1, $0x2  }
0xbc: {  	s3 =	sand.u32 $0x4000, s31;
	s1 =	sadd.s32 s1, s30  }
0xbd: {  	s0 =	sor.u32 s3, s0;
	s1 =	sshll.u32 s1, $0x11  }
0xbe: {  	s0 =	sor.u32 s1, s0  }
0xbf: {  	s0 =	sadd.s32 $0x8F2B, s0  }
0xc0: {  	[sflag:s0] =	ssyncadd.remote.s32 $0x1  }
0xc1: {  	_ =	sfence.sel $0xFFFF  }
0xc2: {  	[dreg:$0x0] =	wrdreg $0xFFFFFFFF;
	(pc) =	sbr.abs _section_cstart, $3  }
0xc3: {  	[dreg:$0x1] =	wrdreg $0xFFFFFFFF  }
0xc4: {  	_ =	task.clear_ibuf [dreg:s8], $0x2FFFF;
	_ =	strace $0x9FFFFFFF  }
0xc5: {  	(tm) =	ssettm $0x7FFFFFFF  }
tec
execute0_lowered:
.L_overlay_start_1:
0x0: {  	(tag) =	ssettag $0x1  }
0x1: {  	s1 =	rddreg [dreg:$0x0]  }
0x2: {  	s2 =	rddreg [dreg:$0x1]  }
0x3: {  	s0 =	rddreg [dreg:$0x2]  }
0x4: {  	s4 =	rddreg [dreg:$0x3]  }
0x5: {  	s3 =	srdreg.scid;
	s5 =	stileid.u32  }
0x6: {  	s14 =	simm.s32 $0x0;
	s15 =	simm.s32 $0x13880;
	s16 =	simm.s32 $0x1  }
0x7: {  	s30 =	simm.s32 $0x80;
	s3 =	sand.u32 $0x1, s3;
	s8 =	smul.u32 $0x2800, s5  }
0x8: {  	[smem:$0x7FF] =	sst s14;
	s23 =	ssub.s32 $0x8C, s5;
	s13 =	smul.u32 $0xA000, s5  }
0x9: {  	s6 =	smul.u32 $0x138800, s3;
	s7 =	sshll.u32 s3, $0x4;
	_ =	strace $0x80000047  }
0xa: {  	s3 =	ssub.s32 $0x2, s3;
	s29 =	sshrl.u32 s23, $0x4;
	[dreg:$0x5] =	wrdreg s30  }
0xb: {  	s7 =	sor.u32 s5, s7;
	s21 =	sshrl.u32 s3, $0x1;
	s28 =	sshrl.u32 s13, $0x2  }
0xc: {  	[dreg:$0x7] =	wrdreg s29;
	s9 =	smul.u32 $0x1E, s7;
	s8 =	sadd.s32 s8, s6  }
0xd: {  	s10 =	smul.u32 $0x1F, s7;
	p0 =	slt.u32 s7, $0x4;
	s3 =	ssub.s32 s3, s21  }
0xe: {  	s31 =	sadd.s32 s28, s4;
	s20 =	sshrl.u32 s8, $0x3;
	s6 =	sadd.s32 $0x4, s9  }
0xf: {  	s8 =	simm.s32 $0x1F;
	s3 =	smax.u32 s3, $0x1;
	s6 =	smov.u32 @p0 s10  }
0x10: {  	[dreg:$0xb] =	wrdreg s31;
	s0 =	sadd.s32 s20, s0;
	s22 =	sadd.s32 $0x600, s6  }
0x11: {  	[dreg:$0xa] =	wrdreg s3;
	s10 =	sshll.u32 s6, $0x7;
	s24 =	sshll.u32 s22, $0x7  }
0x12: {  	s10 =	sand.u32 $0x380, s10;
	s9 =	sshll.u32 s22, $0xB;
	s11 =	sand.u32 $0x7FFFFC00, s24  }
0x13: {  	s0 =	sadd.s32 $0x800, s0;
	s9 =	sand.u32 $0x1FFFF800, s9;
	s10 =	sor.u32 s10, s11  }
0x14: {  	[dreg:$0xc] =	wrdreg s0;
	s25 =	sadd.s32 s1, s9;
	s10 =	sshrl.u32 s10, $0x3  }
0x15: {  	s8 =	simm.s32 @!p0 $0x1E;
	[dreg:$0x8] =	wrdreg s25;
	s26 =	sadd.s32 s2, s10  }
0x16: {  	v0 =	vimm.f32 $0.0e+00;
	s19 =	simm.s32 $0x5;
	s11 =	sadd.s32 $0xFFFFFFFF, s8;
	[dreg:$0x9] =	wrdreg s26  }
.LBB2_1:
0x17: {  	s0 =	simm.s32 $0x70;
	s3 =	simm.s32 $0x3C0  }
.LBB2_2:
0x18: {  	p0 =	sne.s32 s3, $0x9FC0;
	[tilespmem:s0+$0x13880] =	vst v0  }
0x19: {  	[tilespmem:s0+$0x13810] =	vst v0  }
0x1a: {  	[tilespmem:s0+$0x13820] =	vst v0  }
.Ltmp0:
0x1b: {  	[tilespmem:s0+$0x13830] =	vst v0;
	(pc) =	sbr.rel @p0 .LBB2_2-.Ltmp0, $4  }
0x1c: {  	[tilespmem:s0+$0x13840] =	vst v0  }
0x1d: {  	[tilespmem:s0+$0x13850] =	vst v0  }
0x1e: {  	[tilespmem:s0+$0x13860] =	vst v0  }
0x1f: {  	[tilespmem:s0+$0x13870] =	vst v0;
	s0 =	sshra.s32 s3, $0x2;
	s3 =	sadd.s32 $0x200, s3  }
0x20: {  	[tilespmem:s0+$0x13880] =	vst v0  }
0x21: {  	[tilespmem:s0+$0x13810] =	vst v0  }
0x22: {  	[tilespmem:s0+$0x13820] =	vst v0  }
0x23: {  	[tilespmem:s0+$0x13830] =	vst v0  }
0x24: {  	[tilespmem:s0+$0x13840] =	vst v0  }
0x25: {  	[tilespmem:s0+$0x13850] =	vst v0;
	p4 =	sne.s32 s29, $0x1  }
.Ltmp1:
0x26: {  	[tilespmem:s0+$0x13860] =	vst v0;
	(pc) =	sbr.rel @!p4 .LBB2_5-.Ltmp1, $4  }
0x27: {  	[tilespmem:s0+$0x13870] =	vst v0  }
0x28: {  	[spmem:s31] =	stream.linear.scatter [tilespmem:s15], [sflag:$0x1], $0x2800, $0x38;
	[tilespmem:$0x1E180] =	vst v63  }
0x29: {  	_ =	swait.ge [sflag:s16], $0x2800  }
0x2a: {  	s0 =	sadd.s32 $0xFFFFFFFF, s29;
	s3 =	smov.u32 s31;
	[sflag:s16] =	ssyncset.done $0x0  }
.LBB2_4:
0x2b: {  	p0 =	sne.s32 s0, $0x1;
	[sflag:s16] =	ssyncadd.s32 $0xFFFFD800;
	s3 =	sadd.s32 $0x28000, s3  }
.Ltmp2:
0x2c: {  	s0 =	sadd.s32 $0xFFFFFFFF, s0;
	(pc) =	sbr.rel @p0 .LBB2_4-.Ltmp2, $4  }
0x2d: {  	_ = 	snop  }
0x2e: {  	[spmem:s3] =	stream.linear.scatter [tilespmem:s15], [sflag:$0x1], $0x2800, $0x38;
	[tilespmem:$0x1E180] =	vst v63  }
0x2f: {  	_ =	swait.ge [sflag:s16], $0x2800  }
0x30: {  	[sflag:s16] =	ssyncset.done $0x0  }
.LBB2_5:
0x31: {  	[sflag:s16] =	ssyncadd.s32 $0xFFFFD800  }
0x32: {  	s20 =	simm.s32 $0x0;
	s3 =	simm.s32 $0x16080;
	[bflag:$0x0] =	sbarrier.arrive $0xFFFF  }
0x33: {  	s30 =	simm.s32 $0x1E080;
	s21 =	simm.s32 $0x1;
	_ =	strace $0x80000048  }
0x34: {  	s22 =	simm.s32 $0x1;
	p1 =	sne.s32 s8, $0x1;
	s0 =	rddreg [dreg:$0x8]  }
0x35: {  	[tilespmem:s3], [sflag:$0x1] =	stream.linear.gather [hbm4b:s0+s20], $0x4000, $0x200038;
	[tilespmem:$0x1E180] =	vst v63  }
.Ltmp3:
0x36: {  	p0 =	seq.s32 s8, $0x1;
	s18 =	simm.s32 $0x1;
	(pc) =	sbr.rel @!p1 .LBB2_6-.Ltmp3, $4  }
0x37: {  	p3 =	sle.u32 s11, $0x0;
	s18 =	simm.s32 @p0 $0x0;
	s0 =	simm.s32 @!p4 $0x0  }
0x38: {  	p2 =	seq.s32 @!p3 s18, $0x0;
	s28 =	rddreg [dreg:$0x9];
	s0 =	simm.s32 @p4 $0x1  }
0x39: {  	[tilespmem:s30], [sflag:$0x3] =	stream.linear.gather [hbm4b:s28+s20], $0x80, $0x200038;
	[tilespmem:$0x1E180] =	vst v63  }
0x3a: {  	p0 =	sne.s32 s18, $0x0;
	_ =	strace $0x90000048;
	[smem:$0x7FD] =	sst s0  }
0x3b: {  	[dreg:$0x6] =	wrdreg s14  }
0x3c: {  	p1 =	por p2, p3;
	s14 =	sand.u32 $0x1, s20;
	s29 =	simm.s32 $0x2  }
0x3d: {  	p4 =	por p3, p3;
	p6 =	seq.s32 s11, $0x0;
	s31 =	sadd.s32 $0x1, s18  }
0x3e: {  	s30 =	simm.s32 $0x1;
	s0 =	sadd.s32 @!p1 s6, s18;
	s17 =	sand.u32 @!p1 $0x1, s21  }
0x3f: {  	s28 =	simm.s32 @!p1 $0x2;
	s26 =	simm.s32 @!p1 $0x0;
	_ =	strace @!p1 $0x80000049  }
0x40: {  	p5 =	por p6, p0;
	p3 =	seq.s32 s31, s8;
	p0 =	por !p2, p4  }
0x41: {  	p6 =	por $0x1, $0x1;
	s3 =	sadd.s32 @!p1 $0x600, s0;
	s0 =	sshll.u32 @!p1 s0, $0x7  }
0x42: {  	s24 =	sadd.s32 @!p1 $0x1, s17;
	s25 =	sshll.u32 @!p1 s17, $0xE;
	s31 =	simm.s32 @p3 $0x0  }
0x43: {  	p3 =	sle.u32 s11, $0x1;
	s30 =	simm.s32 @!p5 $0x0;
	s23 =	sshll.u32 @!p1 s3, $0xB  }
0x44: {  	s5 =	simm.s32 @!p6 $0x0;
	s3 =	sshll.u32 @!p1 s3, $0x7;
	s23 =	sand.u32 @!p1 $0x1FFFF800, s23  }
0x45: {  	s0 =	sand.u32 @!p1 $0x380, s0;
	s3 =	sand.u32 @!p1 $0xFFFFFC00, s3;
	s23 =	sadd.s32 @!p1 s1, s23  }
0x46: {  	s0 =	sor.u32 @!p1 s0, s3;
	s3 =	sadd.s32 @!p1 $0x16080, s25;
	s25 =	sshll.u32 @!p1 s17, $0x7  }
0x47: {  	[tilespmem:s3], [sflag:s24] =	stream.linear.gather @!p1 [hbm4b:s23+s26], $0x4000, $0x200038;
	[tilespmem:$0x1E180] =	vst v63  }
0x48: {  	s17 =	sadd.s32 @!p1 $0x3, s17;
	s0 =	sshrl.u32 @!p1 s0, $0x3;
	_ =	strace @!p1 $0x90000049  }
0x49: {  	s3 =	sadd.s32 @!p1 $0x1E080, s25;
	s0 =	sadd.s32 @!p1 s2, s0;
	_ =	strace @!p1 $0x8000004A  }
0x4a: {  	[tilespmem:s3], [sflag:s17] =	stream.linear.gather @!p1 [hbm4b:s0+s26], $0x80, $0x200038;
	[tilespmem:$0x1E180] =	vst v63  }
0x4b: {  	p2 =	seq.s32 @!p3 s18, s31;
	p5 =	sne.s32 s18, s31;
	_ =	strace @!p1 $0x9000004A  }
0x4c: {  	s5 =	simm.s32 @p6 $0x1;
	s26 =	sadd.s32 $0x1, s14;
	_ =	strace $0x8000004B  }
0x4d: {  	s24 =	simm.s32 $0x0;
	s23 =	simm.s32 $0x0;
	_ =	swait.ge [sflag:s26], $0x4000  }
0x4e: {  	s17 =	simm.s32 $0x0;
	p1 =	sne.s32 s8, $0x2;
	[sflag:s26] =	ssyncset.done $0x0  }
.Ltmp4:
0x4f: {  	s3 =	sand.u32 $0x80, s24;
	[sflag:s26] =	ssyncadd.s32 $0xFFFFC000;
	(pc) =	sbr.rel @!p1 .LBB2_8-.Ltmp4, $4  }
0x50: {  	s24 =	simm.s32 $0x0;
	s25 =	sand.u32 $0x4000, s17;
	_ =	strace $0x9000004B  }
0x51: {  	s0 =	sadd.s32 $0x1E080, s3;
	s3 =	sadd.s32 $0x3, s14;
	_ =	strace $0x8000004C  }
0x52: {  	s17 =	sadd.s32 $0x16080, s25;
	s25 =	simm.s32 $0x1;
	_ =	swait.ge [sflag:s3], $0x80  }
0x53: {  	s26 =	simm.s32 $0x1;
	[sflag:s3] =	ssyncset.done $0x0;
	[smem:$0x7FC] =	sst s5  }
.LBB2_9:
0x54: {  	s9 =	smov.u32 s26;
	p6 =	por p2, p3  }
0x55: {  	s26 =	smov.u32 @p0 s28;
	[sflag:s3] =	ssyncadd.s32 $0xFFFFFF80;
	s3 =	smov.u32 s22  }
0x56: {  	s22 =	smov.u32 s29;
	s18 =	smov.u32 s31;
	s10 =	simm.s32 $0x0  }
0x57: {  	s24 =	sadd.s32 s30, s24;
	s23 =	sadd.s32 s30, s23;
	s29 =	sadd.s32 $0x1, s29  }
0x58: {  	s28 =	sadd.s32 @!p6 s6, s31;
	s10 =	simm.s32 @p0 $0x1;
	s26 =	smov.u32 @p4 s9  }
0x59: {  	_ =	strace $0x9000004C;
	s30 =	sshll.u32 s23, $0x7;
	p1 =	sne.s32 s8, s29  }
0x5a: {  	s31 =	sadd.s32 $0x1, s31;
	s9 =	sadd.s32 @!p6 $0x600, s28;
	s12 =	sand.u32 @!p6 $0x1, s26  }
0x5b: {  	s28 =	sshll.u32 @!p6 s28, $0x7;
	_ =	strace $0x8000004D;
	s10 =	simm.s32 @p4 $0x0  }
0x5c: {  	p4 =	por p3, p3;
	p3 =	seq.s32 s31, s8;
	s14 =	sshll.u32 @!p6 s9, $0xB  }
0x5d: {  	s9 =	sshll.u32 @!p6 s9, $0x7;
	s7 =	sadd.s32 @!p6 $0x1, s12;
	s13 =	rddreg [dreg:$0x5]  }
0x5e: {  	s28 =	sand.u32 @!p6 $0x380, s28;
	s25 =	sadd.s32 s25, s10;
	s10 =	sshll.u32 @!p6 s12, $0xE  }
0x5f: {  	[spmem:s4] =	stream.indirect.scatter.add.f32 [tilespmem:s17], [sflag:$0x5], $0x80, s0, s13, $0x2000b8;
	[tilespmem:$0x1E180] =	vst v63  }
0x60: {  	p0 =	por !p2, p4;
	s14 =	sand.u32 @!p6 $0x1FFFF800, s14;
	_ =	swait.ge [sflag:s19], $0x4000  }
0x61: {  	s9 =	sand.u32 @!p6 $0xFFFFFC00, s9;
	s12 =	sand.u32 @!p6 $0x1, s25;
	[sflag:s19] =	ssyncset.done $0x0  }
0x62: {  	s10 =	sadd.s32 @!p6 $0x16080, s10;
	s17 =	sshll.u32 s24, $0xE;
	[sflag:s19] =	ssyncadd.s32 $0xFFFFC000  }
0x63: {  	s14 =	sadd.s32 @!p6 s1, s14;
	s9 =	sor.u32 @!p6 s28, s9;
	_ =	strace $0x9000004D  }
0x64: {  	s0 =	sshrl.u32 @!p6 s9, $0x3;
	s9 =	simm.s32 @!p6 $0x0;
	_ =	strace @!p6 $0x80000049  }
0x65: {  	[tilespmem:s10], [sflag:s7] =	stream.linear.gather @!p6 [hbm4b:s14+s9], $0x4000, $0x200038;
	[tilespmem:$0x1E180] =	vst v63  }
0x66: {  	s5 =	sshll.u32 @!p6 s12, $0x7;
	s12 =	sadd.s32 @!p6 $0x3, s12;
	_ =	strace @!p6 $0x90000049  }
0x67: {  	s5 =	sadd.s32 @!p6 $0x1E080, s5;
	s0 =	sadd.s32 @!p6 s2, s0;
	_ =	strace @!p6 $0x8000004A  }
0x68: {  	[tilespmem:s5], [sflag:s12] =	stream.linear.gather @!p6 [hbm4b:s0+s9], $0x80, $0x200038;
	[tilespmem:$0x1E180] =	vst v63  }
0x69: {  	s7 =	sand.u32 $0x4000, s17;
	s17 =	sand.u32 $0x1, s24;
	_ =	strace @!p6 $0x9000004A  }
0x6a: {  	s31 =	simm.s32 @p3 $0x0;
	s0 =	sadd.s32 $0x1, s17;
	_ =	strace $0x8000004B  }
0x6b: {  	p3 =	sge.u32 s22, s11;
	s13 =	sand.u32 $0x1, s23;
	_ =	swait.ge [sflag:s0], $0x4000  }
0x6c: {  	p2 =	seq.s32 @!p3 s18, s31;
	s28 =	sadd.s32 @!p6 $0x1, s26;
	[sflag:s0] =	ssyncset.done $0x0  }
.Ltmp5:
0x6d: {  	s14 =	sand.u32 $0x80, s30;
	[sflag:s0] =	ssyncadd.s32 $0xFFFFC000;
	(pc) =	sbr.rel @p1 .LBB2_9-.Ltmp5, $4  }
0x6e: {  	s30 =	simm.s32 $0x1;
	p6 =	seq.s32 s11, s3;
	_ =	strace $0x9000004B  }
0x6f: {  	s3 =	sadd.s32 $0x3, s13;
	p5 =	por p6, p5;
	_ =	strace $0x8000004C  }
0x70: {  	s17 =	sadd.s32 $0x16080, s7;
	s30 =	simm.s32 @!p5 $0x0;
	_ =	swait.ge [sflag:s3], $0x80  }
0x71: {  	p5 =	sne.s32 s18, s31;
	s0 =	sadd.s32 $0x1E080, s14;
	[sflag:s3] =	ssyncset.done $0x0  }
0x72: {  	s14 =	rddreg [dreg:$0x6]  }
0x73: {  	s29 =	rddreg [dreg:$0x7]  }
0x74: {  	s18 =	smov.u32 s31;
	s31 =	rddreg [dreg:$0xb]  }
.LBB2_11:
0x75: {  	s5 =	sld [smem:$0x7FC];
	_ =	sdelay $0x2  }
0x76: {  	s7 =	simm.s32 $0x1;
	p6 =	seq.s32 s5, $0x1  }
0x77: {  	s5 =	simm.s32 $0x0;
	p5 =	por !p0, !p6;
	p0 =	por p2, p3  }
0x78: {  	[sflag:s3] =	ssyncadd.s32 @p6 $0xFFFFFF80;
	p1 =	por !p4, !p6;
	s28 =	smov.u32 @p5 s26  }
0x79: {  	s3 =	sadd.s32 @!p0 s6, s18;
	s5 =	simm.s32 @!p5 $0x1;
	_ =	strace @p6 $0x9000004C  }
0x7a: {  	s26 =	smov.u32 @p1 s28;
	s9 =	sadd.s32 @!p0 $0x600, s3;
	_ =	strace @p6 $0x8000004D  }
0x7b: {  	s3 =	sshll.u32 @!p0 s3, $0x7;
	s5 =	simm.s32 @!p1 $0x0;
	s7 =	smov.u32 @p6 s26  }
0x7c: {  	s10 =	sshll.u32 @!p0 s9, $0xB;
	s12 =	rddreg [dreg:$0x5];
	s9 =	sshll.u32 @!p0 s9, $0x7  }
0x7d: {  	s3 =	sand.u32 @!p0 $0x380, s3;
	s7 =	sand.u32 @!p0 $0x1, s7;
	s10 =	sand.u32 @!p0 $0x1FFFF800, s10  }
0x7e: {  	[spmem:s4] =	stream.indirect.scatter.add.f32 @p6 [tilespmem:s17], [sflag:$0x5], $0x80, s0, s12, $0x2000b8;
	[tilespmem:$0x1E180] =	vst v63  }
0x7f: {  	s9 =	sand.u32 @!p0 $0xFFFFFC00, s9;
	s0 =	sadd.s32 @p6 s25, s5;
	s13 =	sadd.s32 @!p0 $0x1, s7  }
0x80: {  	s10 =	sadd.s32 @!p0 s1, s10;
	s5 =	sshll.u32 @!p0 s7, $0xE;
	_ =	swait.ge @p6 [sflag:s19], $0x4000  }
0x81: {  	s3 =	sor.u32 @!p0 s3, s9;
	s21 =	smov.u32 @p6 s0;
	[sflag:s19] =	ssyncset.done @p6 $0x0  }
0x82: {  	s9 =	simm.s32 @!p0 $0x0;
	s0 =	sand.u32 @!p0 $0x1, s21;
	[sflag:s19] =	ssyncadd.s32 @p6 $0xFFFFC000  }
0x83: {  	s5 =	sadd.s32 @!p0 $0x16080, s5;
	s3 =	sshrl.u32 @!p0 s3, $0x3;
	_ =	strace @p6 $0x9000004D  }
0x84: {  	s7 =	sshll.u32 @!p0 s0, $0x7;
	s0 =	sadd.s32 @!p0 $0x3, s0;
	_ =	strace @!p0 $0x80000049  }
0x85: {  	[tilespmem:s5], [sflag:s13] =	stream.linear.gather @!p0 [hbm4b:s10+s9], $0x4000, $0x200038;
	[tilespmem:$0x1E180] =	vst v63  }
0x86: {  	s5 =	sadd.s32 @!p0 $0x1E080, s7;
	s7 =	sadd.s32 @p6 s30, s24;
	_ =	strace @!p0 $0x90000049  }
0x87: {  	s3 =	sadd.s32 @!p0 s2, s3;
	s20 =	smov.u32 @p6 s7;
	_ =	strace @!p0 $0x8000004A  }
0x88: {  	[tilespmem:s5], [sflag:s0] =	stream.linear.gather @!p0 [hbm4b:s3+s9], $0x80, $0x200038;
	[tilespmem:$0x1E180] =	vst v63  }
0x89: {  	s21 =	sand.u32 $0x1, s20;
	_ =	strace @!p0 $0x9000004A  }
0x8a: {  	s0 =	sadd.s32 $0x1, s21;
	_ =	strace $0x8000004B  }
0x8b: {  	_ =	swait.ge [sflag:s0], $0x4000  }
0x8c: {  	s3 =	sadd.s32 @p6 s30, s23;
	s5 =	simm.s32 $0x0;
	[sflag:s0] =	ssyncset.done $0x0  }
0x8d: {  	s5 =	smov.u32 @p6 s3;
	[sflag:s0] =	ssyncadd.s32 $0xFFFFC000  }
0x8e: {  	s22 =	sand.u32 $0x1, s5;
	_ =	strace $0x9000004B  }
0x8f: {  	s0 =	sadd.s32 $0x3, s22;
	_ =	strace $0x8000004C  }
0x90: {  	_ =	swait.ge [sflag:s0], $0x80  }
0x91: {  	[sflag:s0] =	ssyncset.done $0x0  }
0x92: {  	[sflag:s0] =	ssyncadd.s32 $0xFFFFFF80  }
0x93: {  	s23 =	sshll.u32 s20, $0xE;
	s3 =	sshll.u32 s5, $0x7;
	_ =	strace $0x9000004C  }
0x94: {  	s3 =	sand.u32 $0x80, s3;
	s0 =	sand.u32 $0x4000, s23;
	_ =	strace $0x8000004D  }
0x95: {  	s3 =	sadd.s32 $0x1E080, s3;
	s0 =	sadd.s32 $0x16080, s0;
	s24 =	rddreg [dreg:$0x5]  }
0x96: {  	[spmem:s4] =	stream.indirect.scatter.add.f32 [tilespmem:s0], [sflag:$0x5], $0x80, s3, s24, $0x2000b8;
	[tilespmem:$0x1E180] =	vst v63  }
0x97: {  	_ =	swait.ge [sflag:s19], $0x4000  }
0x98: {  	[sflag:s19] =	ssyncset.done $0x0  }
0x99: {  	[sflag:s19] =	ssyncadd.s32 $0xFFFFC000  }
0x9a: {  	s25 =	stileid.u32;
	_ =	strace $0x9000004D  }
0x9b: {  	s0 =	sshll.u32 s25, $0x6;
	[bflag:$0x0] =	sbarrier.arrive $0xFFFF  }
0x9c: {  	s26 =	sshrl.u32 s31, $0x3;
	s0 =	sor.u32 $0x1C01, s0;
	s28 =	rddreg [dreg:$0xc]  }
0x9d: {  	[hbm:s28], [sflag:s0] =	dma.local [spmem:s26], $0x500  }
0x9e: {  	_ =	swait.ge [sflag:s16], $0x500  }
0x9f: {  	s30 =	sld [smem:$0x7FD];
	_ =	sdelay $0x2  }
0xa0: {  	p0 =	seq.s32 s30, $0x1  }
.Ltmp6:
0xa1: {  	_ = 	snop;
	(pc) =	sbr.rel @!p0 .LBB2_13-.Ltmp6, $2  }
0xa2: {  	_ =	sdelay $0x2  }
0xa3: {  	s18 =	smov.u32 s31;
	s3 =	sadd.s32 $0xFFFFFFFF, s29;
	s17 =	sadd.s32 $0x5000, s28  }
.LBB2_12:
0xa4: {  	[sflag:s16] =	ssyncset.done $0x0;
	s18 =	sadd.s32 $0x28000, s18;
	p0 =	sne.s32 s3, $0x1  }
.Ltmp7:
0xa5: {  	s5 =	sshrl.u32 s18, $0x3;
	[sflag:s16] =	ssyncadd.s32 $0xFFFFFB00;
	(pc) =	sbr.rel @p0 .LBB2_12-.Ltmp7, $3  }
0xa6: {  	[hbm:s17], [sflag:s0] =	dma.local [spmem:s5], $0x500  }
0xa7: {  	s3 =	sadd.s32 $0xFFFFFFFF, s3;
	_ =	sdelay $0x1  }
0xa8: {  	s17 =	sadd.s32 $0x5000, s17;
	_ =	swait.ge [sflag:s16], $0x500  }
.LBB2_13:
0xa9: {  	s14 =	sadd.s32 $0x1, s14;
	s0 =	rddreg [dreg:$0xa]  }
0xaa: {  	p0 =	sne.s32 s14, s0  }
.Ltmp8:
0xab: {  	_ = 	snop;
	(pc) =	sbr.rel @p0 .LBB2_1-.Ltmp8, $4  }
.Ltmp9:
0xac: {  	_ = 	snop;
	(pc) =	sbr.rel @!p0 .LBB2_14-.Ltmp9, $4  }
0xad: {  	_ = 	snop  }
0xae: {  	[sflag:s16] =	ssyncset.done $0x0  }
0xaf: {  	[sflag:s16] =	ssyncadd.s32 $0xFFFFFB00  }
0xb0: {  	_ = 	snop  }
.LBB2_6:
.Ltmp10:
0xb1: {  	(pc) =	sbr.rel .LBB2_11-.Ltmp10, $4  }
0xb2: {  	p0 =	por $0x0, $0x0  }
0xb3: {  	s0 =	simm.s32 @!p0 $0x0  }
0xb4: {  	s26 =	simm.s32 $0x1;
	s25 =	simm.s32 $0x1;
	s0 =	simm.s32 @p0 $0x1  }
0xb5: {  	s24 =	simm.s32 $0x0;
	s23 =	simm.s32 $0x0;
	[smem:$0x7FC] =	sst s0  }
.LBB2_8:
.Ltmp11:
0xb6: {  	(pc) =	sbr.rel .LBB2_11-.Ltmp11, $4  }
0xb7: {  	_ = 	snop  }
0xb8: {  	s26 =	simm.s32 $0x1;
	s14 =	rddreg [dreg:$0x6]  }
0xb9: {  	s18 =	smov.u32 s31;
	s25 =	simm.s32 $0x1;
	s29 =	rddreg [dreg:$0x7]  }
0xba: {  	s24 =	simm.s32 $0x0;
	s23 =	simm.s32 $0x0;
	s31 =	rddreg [dreg:$0xb]  }
.LBB2_14:
0xbb: {  	_ =	sfence.sel $0x180000  }
0xbc: {  	[bflag:$0x0] =	sbarrier.arrive $0xFFFF  }
0xbd: {  	_ =	strace $0x90000047  }
0xbe: {  	s0 =	stileid.u32;
	[bflag:$0x2] =	sbarrier.arrive $0xFFFF  }
0xbf: {  	p0 =	sne.s32 s0, $0x0;
	s0 =	rddreg [dreg:$0x4]  }
0xc0: {  	s0 =	sadd.s32 @!p0 $0x100000, s0  }
0xc1: {  	[sflag:s0] =	ssyncadd.tile.s32 @!p0 $0x1;
	_ =	shalt  }
.Lfunc_end2:
_tile_overlayer_lowered:
.L_overlay_start_2:
0xc2: {  	(tag) =	ssettag $0x2  }
0xc3: {  	s0 =	rddreg [dreg:$0x0];
	s2 =	stileid.u32  }
0xc4: {  	s1 =	rddreg [dreg:$0x1];
	p0 =	sne.s32 s2, $0x0  }
0xc5: {  	s3 =	rddreg [dreg:$0x2];
	[bflag:$0x3] =	sbarrier.arrive $0xFFFF;
	s2 =	simm.s32 @!p0 $0x1C01  }
0xc6: {  	[timem:s3], [sflag:s2] =	dma.local @!p0 [hbm:s0], s1  }
0xc7: {  	s0 =	simm.s32 @!p0 $0x1  }
0xc8: {  	_ =	swait.ge @!p0 [sflag:s0], s1  }
0xc9: {  	s1 =	ssub.s32 @!p0 $0x0, s1;
	[sflag:s0] =	ssyncset.done @!p0 $0x0  }
0xca: {  	[sflag:s0] =	ssyncadd.s32 @!p0 s1  }
0xcb: {  	[bflag:$0x3] =	sbarrier.arrive $0xFFFF  }
0xcc: {  	_ =	shalt  }

</sc_bundles>
